<compile_context>
chip_gen: v7x
topology: tpu7x:2x2x1
jax: 0.10.2.dev20260603
libtpu: 0.0.44.dev20260713+nightly
codegen_flags: <defaults>
</compile_context>

<pallas_src>
import functools
import math

import jax
import jax.numpy as jnp
from jax import lax
from jax.experimental import pallas as pl
from jax.experimental.pallas import tpu as pltpu
from jax.experimental.pallas import tpu_sc as plsc


def _gate_body(S, E, CAP, B, NB):
    def body(x_ref, wt_ref, comb_ref, row_ref, cid_ref, laux_ref,
             cnt_ref, me_ref, ce_ref):
        i = pl.program_id(0)

        @pl.when(i == 0)
        def _init():
            cnt_ref[...] = jnp.zeros_like(cnt_ref)
            me_ref[...] = jnp.zeros_like(me_ref)
            ce_ref[...] = jnp.zeros_like(ce_ref)

        x = x_ref[...]
        wt = wt_ref[...]
        logits = jnp.dot(x, wt, preferred_element_type=jnp.float32)

        m = jnp.max(logits, axis=1, keepdims=True)
        ex = jnp.exp(logits - m)
        den = jnp.sum(ex, axis=1, keepdims=True)
        gates = ex / den

        gmax = jnp.max(gates, axis=1, keepdims=True)
        eiota = lax.broadcasted_iota(jnp.int32, (B, E), 1)
        is_max = gates == gmax
        eidx = jnp.min(jnp.where(is_max, eiota, E), axis=1, keepdims=True)

        onehot = (eiota == eidx).astype(jnp.float32)
        r = lax.broadcasted_iota(jnp.int32, (B, B), 0)
        c = lax.broadcasted_iota(jnp.int32, (B, B), 1)
        tri = (c <= r).astype(jnp.float32)
        loc_incl = jnp.dot(tri, onehot, preferred_element_type=jnp.float32)

        prev = cnt_ref[...]
        loc = loc_incl - 1.0 + prev
        cnt_ref[...] = prev + loc_incl[B - 1:B, :]

        me_ref[...] += jnp.sum(gates, axis=0, keepdims=True)
        ce_ref[...] += loc_incl[B - 1:B, :]

        locs_tok = jnp.sum(loc * onehot, axis=1, keepdims=True)
        loci = locs_tok.astype(jnp.int32)
        keep = loci < CAP

        srow = lax.broadcasted_iota(jnp.int32, (B, 1), 0) + i * B
        row_ref[...] = srow * E + eidx
        cid_ref[...] = jnp.where(keep, loci, CAP)

        e3 = lax.broadcasted_iota(jnp.int32, (B, E, CAP), 1)
        c3 = lax.broadcasted_iota(jnp.int32, (B, E, CAP), 2)
        eidx3 = eidx.reshape(B, 1, 1)
        loc3 = loci.reshape(B, 1, 1)
        gmax3 = gmax.reshape(B, 1, 1)
        hit = (e3 == eidx3) & (c3 == loc3)
        comb_ref[...] = jnp.where(hit, gmax3, 0.0)

        @pl.when(i == NB - 1)
        def _fin():
            me = me_ref[...] / float(S)
            ce = ce_ref[...] / float(S)
            laux_ref[...] = jnp.sum(me * ce).reshape(1, 1) * float(E)

    return body


def _make_dispatch_sc(S, E, CAP):
    info = plsc.get_sparse_core_info()
    NW = info.num_cores * info.num_subcores
    rows = S * E
    rows_w = rows // NW
    toks_w = S // NW
    mesh = plsc.VectorSubcoreMesh(core_axis_name="c", subcore_axis_name="s")

    @functools.partial(
        pl.kernel, mesh=mesh,
        out_type=jax.ShapeDtypeStruct((rows, CAP), jnp.bool_),
        scratch_types=[
            pltpu.VMEM((512, CAP), jnp.bool_),
            pltpu.VMEM((toks_w,), jnp.int32),
            pltpu.VMEM((toks_w,), jnp.int32),
            pltpu.VMEM((toks_w, CAP), jnp.bool_),
            pltpu.SemaphoreType.DMA,
        ],
    )
    def dispatch_sc(zeros_hbm, patterns_hbm, rowidx_hbm, cidx_hbm, out_hbm,
                    zbuf_v, ridx_v, cidx_v, rowpat_v, sem):
        wid = lax.axis_index("s") * info.num_cores + lax.axis_index("c")
        rbase = wid * rows_w
        tbase = wid * toks_w

        pltpu.sync_copy(zeros_hbm.at[pl.ds(0, 512)], zbuf_v)
        copies = [
            pltpu.async_copy(zbuf_v, out_hbm.at[pl.ds(rbase + k * 512, 512)], sem)
            for k in range(rows_w // 512)
        ]
        for cp in copies:
            cp.wait()

        pltpu.sync_copy(rowidx_hbm.at[pl.ds(tbase, toks_w)], ridx_v)
        pltpu.sync_copy(cidx_hbm.at[pl.ds(tbase, toks_w)], cidx_v)
        pltpu.async_copy(patterns_hbm.at[cidx_v], rowpat_v, sem).wait()
        pltpu.async_copy(rowpat_v, out_hbm.at[ridx_v], sem).wait()

    return dispatch_sc


def kernel(input, W):
    S, D = input.shape
    E = W.shape[0]
    CAP = int(math.ceil(S / E))
    B = 256
    NB = S // B

    wt = W.T

    comb, rowidx, cidx, laux = pl.pallas_call(
        _gate_body(S, E, CAP, B, NB),
        grid=(NB,),
        in_specs=[
            pl.BlockSpec((B, D), lambda i: (i, 0)),
            pl.BlockSpec((D, E), lambda i: (0, 0)),
        ],
        out_specs=[
            pl.BlockSpec((B, E, CAP), lambda i: (i, 0, 0)),
            pl.BlockSpec((B, 1), lambda i: (i, 0)),
            pl.BlockSpec((B, 1), lambda i: (i, 0)),
            pl.BlockSpec((1, 1), lambda i: (0, 0)),
        ],
        out_shape=[
            jax.ShapeDtypeStruct((S, E, CAP), jnp.float32),
            jax.ShapeDtypeStruct((S, 1), jnp.int32),
            jax.ShapeDtypeStruct((S, 1), jnp.int32),
            jax.ShapeDtypeStruct((1, 1), jnp.float32),
        ],
        scratch_shapes=[
            pltpu.VMEM((1, E), jnp.float32),
            pltpu.VMEM((1, E), jnp.float32),
            pltpu.VMEM((1, E), jnp.float32),
        ],
    )(input, wt)

    zeros_src = jnp.zeros((512, CAP), dtype=jnp.bool_)
    patterns = jnp.concatenate(
        [jnp.eye(CAP, dtype=jnp.bool_), jnp.zeros((8, CAP), dtype=jnp.bool_)])

    disp = _make_dispatch_sc(S, E, CAP)(
        zeros_src, patterns, rowidx.reshape(S), cidx.reshape(S))

    return (laux.reshape(()), comb, disp.reshape(S, E, CAP))

# --- scband reference (transcript-rebuilt; emitter-appended) ---
"""Pipeline reference for scband-top-kgate-84705345012182 (READ-ONLY COPY).

The authoritative reference and input builder live on the scoring server;
editing this copy changes nothing except your own understanding.
"""

import jax, jax.numpy as jnp
import numpy as np
import math

MODEL_DIM = 1024
NUM_EXPERTS = 64
CAPACITY_FACTOR = 1.0
NUM_TOKENS = 8192


def setup_inputs(seed: int = 0) -> dict:
    key = jax.random.key(seed)
    k1, k2 = jax.random.split(key)
    inp = jax.random.normal(k1, (NUM_TOKENS, MODEL_DIM), dtype=jnp.float32)
    # torch.nn.Linear default init: U(-1/sqrt(fan_in), 1/sqrt(fan_in)), weight shape [out, in]
    bound = 1.0 / math.sqrt(MODEL_DIM)
    W = jax.random.uniform(k2, (NUM_EXPERTS, MODEL_DIM), dtype=jnp.float32, minval=-bound, maxval=bound)
    return {"input": inp, "W": W}


def reference(input, W):
    # logits = wg(input)  (Linear, no bias)
    logits = jnp.dot(input.astype(jnp.float32), W.T)
    # top1gating(logits, capacity_factor=1.0, noisy_gate=False)
    gates = jax.nn.softmax(logits, axis=1)
    num_tokens = gates.shape[0]
    num_experts = gates.shape[1]
    capacity = math.ceil(num_tokens / num_experts * CAPACITY_FACTOR)
    indices1_s = jnp.argmax(gates, axis=1)
    mask1 = jax.nn.one_hot(indices1_s, num_experts, dtype=jnp.int32)
    locations1 = jnp.cumsum(mask1, axis=0) - 1
    me = jnp.mean(gates, axis=0)
    ce = jnp.mean(mask1.astype(jnp.float32), axis=0)
    l_aux = jnp.mean(me * ce) * num_experts * num_experts
    mask1 = mask1 * (locations1 < capacity).astype(jnp.int32)
    locations1_s = jnp.sum(locations1 * mask1, axis=1)
    mask1_float = mask1.astype(jnp.float32)
    gates1_s = jnp.einsum('se,se->s', gates, mask1_float)
    gates1 = jnp.einsum('s,se->se', gates1_s, mask1_float)
    locations1_sc = jax.nn.one_hot(locations1_s, capacity, dtype=jnp.float32)
    combine_weights = jnp.einsum('se,sc->sec', gates1, locations1_sc)
    dispatch_mask = combine_weights.astype(bool)
    return (l_aux, combine_weights, dispatch_mask)

if __name__ == "__main__":
    import jax
    _d = setup_inputs()
    print(jax.jit(kernel)(*tuple(_d.values())))

</pallas_src>

<mosaic_0001>
#map = affine_map<(d0, d1) -> (0, 0)>
#map1 = affine_map<(d0, d1) -> (0)>
module attributes {stable_mosaic.version = 14 : i64} {
  func.func @dispatch_sc(%arg0: i32, %arg1: i32, %arg2: memref<512x128xi32, #tpu.memory_space<hbm>>, %arg3: memref<136x128xi32, #tpu.memory_space<hbm>>, %arg4: memref<8192xi32, #tpu.memory_space<hbm>>, %arg5: memref<8192xi32, #tpu.memory_space<hbm>>, %arg6: memref<524288x128xi32, #tpu.memory_space<hbm>>, %arg7: memref<512x128xi32, #tpu.memory_space<vmem>>, %arg8: memref<256xi32, #tpu.memory_space<vmem>>, %arg9: memref<256xi32, #tpu.memory_space<vmem>>, %arg10: memref<256x128xi32, #tpu.memory_space<vmem>>, %arg11: memref<!tpu.dma_semaphore, #tpu.memory_space<semaphore_mem>>) attributes {dimension_semantics = [#tpu.dimension_semantics<core_parallel>, #tpu.dimension_semantics<subcore_parallel>], iteration_bounds = array<i64: 2, 16>, scalar_prefetch = 0 : i64, scratch_operands = 5 : i64, tpu.core_type = #tpu.core_type<sc_vector_subcore>, window_params = [{transform_indices = #map}, {transform_indices = #map}, {transform_indices = #map1}, {transform_indices = #map1}, {transform_indices = #map}]} {
    %mul3A = arith.constant 2 : i32
    %mul3A_0 = arith.muli %arg1, %mul3A : i32
    %add3A = arith.addi %mul3A_0, %arg0 : i32
    %mul3A_1 = arith.constant 16384 : i32
    %mul3A_2 = arith.muli %add3A, %mul3A_1 : i32
    %mul3A_3 = arith.constant 256 : i32
    %mul3A_4 = arith.muli %add3A, %mul3A_3 : i32
    "tpu.region"() ({
      %run_scoped3A = tpu.sem_alloc : memref<!tpu.dma_semaphore, #tpu.memory_space<semaphore_mem>>
      %dma_start3A_335 = arith.constant 0 : i32
      %dma_start3A_336 = arith.constant 0 : i32
      %dma_start3A_337 = tpu.memref_slice %arg2[%dma_start3A_335, %dma_start3A_336] : memref<512x128xi32, #tpu.memory_space<hbm>> -> memref<512x128xi32, #tpu.memory_space<hbm>>
      %dma_start3A_338 = arith.constant 0 : i32
      %dma_start3A_339 = arith.constant 0 : i32
      %dma_start3A_340 = tpu.memref_slice %arg2[%dma_start3A_338, %dma_start3A_339] : memref<512x128xi32, #tpu.memory_space<hbm>> -> memref<512x128xi32, #tpu.memory_space<hbm>>
      tpu.enqueue_dma source(%dma_start3A_340 : memref<512x128xi32, #tpu.memory_space<hbm>>) target(%arg7 : memref<512x128xi32, #tpu.memory_space<vmem>>) target_semaphore(%run_scoped3A : memref<!tpu.dma_semaphore, #tpu.memory_space<semaphore_mem>>)
      %dma_wait3A_341 = arith.constant 0 : i32
      %dma_wait3A_342 = arith.constant 0 : i32
      %dma_wait3A_343 = tpu.memref_slice %arg2[%dma_wait3A_341, %dma_wait3A_342] : memref<512x128xi32, #tpu.memory_space<hbm>> -> memref<512x128xi32, #tpu.memory_space<hbm>>
      %dma_wait3A_344 = arith.constant 0 : i32
      %dma_wait3A_345 = arith.constant 0 : i32
      %dma_wait3A_346 = tpu.memref_slice %arg2[%dma_wait3A_344, %dma_wait3A_345] : memref<512x128xi32, #tpu.memory_space<hbm>> -> memref<512x128xi32, #tpu.memory_space<hbm>>
      tpu.wait_dma2 semaphore(%run_scoped3A : memref<!tpu.dma_semaphore, #tpu.memory_space<semaphore_mem>>) src(%dma_wait3A_346 : memref<512x128xi32, #tpu.memory_space<hbm>>) dst(%arg7 : memref<512x128xi32, #tpu.memory_space<vmem>>)
      tpu.yield
    }) : () -> ()
    %add3A_5 = arith.constant 0 : i32
    %add3A_6 = arith.addi %mul3A_2, %add3A_5 : i32
    %dma_start3A = arith.constant 0 : i32
    %dma_start3A_7 = tpu.memref_slice %arg6[%add3A_6, %dma_start3A] : memref<524288x128xi32, #tpu.memory_space<hbm>> -> memref<512x128xi32, #tpu.memory_space<hbm>>
    %dma_start3A_8 = arith.constant 0 : i32
    %dma_start3A_9 = tpu.memref_slice %arg6[%add3A_6, %dma_start3A_8] : memref<524288x128xi32, #tpu.memory_space<hbm>> -> memref<512x128xi32, #tpu.memory_space<hbm>>
    tpu.enqueue_dma source(%arg7 : memref<512x128xi32, #tpu.memory_space<vmem>>) target(%dma_start3A_9 : memref<512x128xi32, #tpu.memory_space<hbm>>) target_semaphore(%arg11 : memref<!tpu.dma_semaphore, #tpu.memory_space<semaphore_mem>>)
    %add3A_10 = arith.constant 512 : i32
    %add3A_11 = arith.addi %mul3A_2, %add3A_10 : i32
    %dma_start3A_12 = arith.constant 0 : i32
    %dma_start3A_13 = tpu.memref_slice %arg6[%add3A_11, %dma_start3A_12] : memref<524288x128xi32, #tpu.memory_space<hbm>> -> memref<512x128xi32, #tpu.memory_space<hbm>>
    %dma_start3A_14 = arith.constant 0 : i32
    %dma_start3A_15 = tpu.memref_slice %arg6[%add3A_11, %dma_start3A_14] : memref<524288x128xi32, #tpu.memory_space<hbm>> -> memref<512x128xi32, #tpu.memory_space<hbm>>
    tpu.enqueue_dma source(%arg7 : memref<512x128xi32, #tpu.memory_space<vmem>>) target(%dma_start3A_15 : memref<512x128xi32, #tpu.memory_space<hbm>>) target_semaphore(%arg11 : memref<!tpu.dma_semaphore, #tpu.memory_space<semaphore_mem>>)
    %add3A_16 = arith.constant 1024 : i32
    %add3A_17 = arith.addi %mul3A_2, %add3A_16 : i32
    %dma_start3A_18 = arith.constant 0 : i32
    %dma_start3A_19 = tpu.memref_slice %arg6[%add3A_17, %dma_start3A_18] : memref<524288x128xi32, #tpu.memory_space<hbm>> -> memref<512x128xi32, #tpu.memory_space<hbm>>
    %dma_start3A_20 = arith.constant 0 : i32
    %dma_start3A_21 = tpu.memref_slice %arg6[%add3A_17, %dma_start3A_20] : memref<524288x128xi32, #tpu.memory_space<hbm>> -> memref<512x128xi32, #tpu.memory_space<hbm>>
    tpu.enqueue_dma source(%arg7 : memref<512x128xi32, #tpu.memory_space<vmem>>) target(%dma_start3A_21 : memref<512x128xi32, #tpu.memory_space<hbm>>) target_semaphore(%arg11 : memref<!tpu.dma_semaphore, #tpu.memory_space<semaphore_mem>>)
    %add3A_22 = arith.constant 1536 : i32
    %add3A_23 = arith.addi %mul3A_2, %add3A_22 : i32
    %dma_start3A_24 = arith.constant 0 : i32
    %dma_start3A_25 = tpu.memref_slice %arg6[%add3A_23, %dma_start3A_24] : memref<524288x128xi32, #tpu.memory_space<hbm>> -> memref<512x128xi32, #tpu.memory_space<hbm>>
    %dma_start3A_26 = arith.constant 0 : i32
    %dma_start3A_27 = tpu.memref_slice %arg6[%add3A_23, %dma_start3A_26] : memref<524288x128xi32, #tpu.memory_space<hbm>> -> memref<512x128xi32, #tpu.memory_space<hbm>>
    tpu.enqueue_dma source(%arg7 : memref<512x128xi32, #tpu.memory_space<vmem>>) target(%dma_start3A_27 : memref<512x128xi32, #tpu.memory_space<hbm>>) target_semaphore(%arg11 : memref<!tpu.dma_semaphore, #tpu.memory_space<semaphore_mem>>)
    %add3A_28 = arith.constant 2048 : i32
    %add3A_29 = arith.addi %mul3A_2, %add3A_28 : i32
    %dma_start3A_30 = arith.constant 0 : i32
    %dma_start3A_31 = tpu.memref_slice %arg6[%add3A_29, %dma_start3A_30] : memref<524288x128xi32, #tpu.memory_space<hbm>> -> memref<512x128xi32, #tpu.memory_space<hbm>>
    %dma_start3A_32 = arith.constant 0 : i32
    %dma_start3A_33 = tpu.memref_slice %arg6[%add3A_29, %dma_start3A_32] : memref<524288x128xi32, #tpu.memory_space<hbm>> -> memref<512x128xi32, #tpu.memory_space<hbm>>
    tpu.enqueue_dma source(%arg7 : memref<512x128xi32, #tpu.memory_space<vmem>>) target(%dma_start3A_33 : memref<512x128xi32, #tpu.memory_space<hbm>>) target_semaphore(%arg11 : memref<!tpu.dma_semaphore, #tpu.memory_space<semaphore_mem>>)
    %add3A_34 = arith.constant 2560 : i32
    %add3A_35 = arith.addi %mul3A_2, %add3A_34 : i32
    %dma_start3A_36 = arith.constant 0 : i32
    %dma_start3A_37 = tpu.memref_slice %arg6[%add3A_35, %dma_start3A_36] : memref<524288x128xi32, #tpu.memory_space<hbm>> -> memref<512x128xi32, #tpu.memory_space<hbm>>
    %dma_start3A_38 = arith.constant 0 : i32
    %dma_start3A_39 = tpu.memref_slice %arg6[%add3A_35, %dma_start3A_38] : memref<524288x128xi32, #tpu.memory_space<hbm>> -> memref<512x128xi32, #tpu.memory_space<hbm>>
    tpu.enqueue_dma source(%arg7 : memref<512x128xi32, #tpu.memory_space<vmem>>) target(%dma_start3A_39 : memref<512x128xi32, #tpu.memory_space<hbm>>) target_semaphore(%arg11 : memref<!tpu.dma_semaphore, #tpu.memory_space<semaphore_mem>>)
    %add3A_40 = arith.constant 3072 : i32
    %add3A_41 = arith.addi %mul3A_2, %add3A_40 : i32
    %dma_start3A_42 = arith.constant 0 : i32
    %dma_start3A_43 = tpu.memref_slice %arg6[%add3A_41, %dma_start3A_42] : memref<524288x128xi32, #tpu.memory_space<hbm>> -> memref<512x128xi32, #tpu.memory_space<hbm>>
    %dma_start3A_44 = arith.constant 0 : i32
    %dma_start3A_45 = tpu.memref_slice %arg6[%add3A_41, %dma_start3A_44] : memref<524288x128xi32, #tpu.memory_space<hbm>> -> memref<512x128xi32, #tpu.memory_space<hbm>>
    tpu.enqueue_dma source(%arg7 : memref<512x128xi32, #tpu.memory_space<vmem>>) target(%dma_start3A_45 : memref<512x128xi32, #tpu.memory_space<hbm>>) target_semaphore(%arg11 : memref<!tpu.dma_semaphore, #tpu.memory_space<semaphore_mem>>)
    %add3A_46 = arith.constant 3584 : i32
    %add3A_47 = arith.addi %mul3A_2, %add3A_46 : i32
    %dma_start3A_48 = arith.constant 0 : i32
    %dma_start3A_49 = tpu.memref_slice %arg6[%add3A_47, %dma_start3A_48] : memref<524288x128xi32, #tpu.memory_space<hbm>> -> memref<512x128xi32, #tpu.memory_space<hbm>>
    %dma_start3A_50 = arith.constant 0 : i32
    %dma_start3A_51 = tpu.memref_slice %arg6[%add3A_47, %dma_start3A_50] : memref<524288x128xi32, #tpu.memory_space<hbm>> -> memref<512x128xi32, #tpu.memory_space<hbm>>
    tpu.enqueue_dma source(%arg7 : memref<512x128xi32, #tpu.memory_space<vmem>>) target(%dma_start3A_51 : memref<512x128xi32, #tpu.memory_space<hbm>>) target_semaphore(%arg11 : memref<!tpu.dma_semaphore, #tpu.memory_space<semaphore_mem>>)
    %add3A_52 = arith.constant 4096 : i32
    %add3A_53 = arith.addi %mul3A_2, %add3A_52 : i32
    %dma_start3A_54 = arith.constant 0 : i32
    %dma_start3A_55 = tpu.memref_slice %arg6[%add3A_53, %dma_start3A_54] : memref<524288x128xi32, #tpu.memory_space<hbm>> -> memref<512x128xi32, #tpu.memory_space<hbm>>
    %dma_start3A_56 = arith.constant 0 : i32
    %dma_start3A_57 = tpu.memref_slice %arg6[%add3A_53, %dma_start3A_56] : memref<524288x128xi32, #tpu.memory_space<hbm>> -> memref<512x128xi32, #tpu.memory_space<hbm>>
    tpu.enqueue_dma source(%arg7 : memref<512x128xi32, #tpu.memory_space<vmem>>) target(%dma_start3A_57 : memref<512x128xi32, #tpu.memory_space<hbm>>) target_semaphore(%arg11 : memref<!tpu.dma_semaphore, #tpu.memory_space<semaphore_mem>>)
    %add3A_58 = arith.constant 4608 : i32
    %add3A_59 = arith.addi %mul3A_2, %add3A_58 : i32
    %dma_start3A_60 = arith.constant 0 : i32
    %dma_start3A_61 = tpu.memref_slice %arg6[%add3A_59, %dma_start3A_60] : memref<524288x128xi32, #tpu.memory_space<hbm>> -> memref<512x128xi32, #tpu.memory_space<hbm>>
    %dma_start3A_62 = arith.constant 0 : i32
    %dma_start3A_63 = tpu.memref_slice %arg6[%add3A_59, %dma_start3A_62] : memref<524288x128xi32, #tpu.memory_space<hbm>> -> memref<512x128xi32, #tpu.memory_space<hbm>>
    tpu.enqueue_dma source(%arg7 : memref<512x128xi32, #tpu.memory_space<vmem>>) target(%dma_start3A_63 : memref<512x128xi32, #tpu.memory_space<hbm>>) target_semaphore(%arg11 : memref<!tpu.dma_semaphore, #tpu.memory_space<semaphore_mem>>)
    %add3A_64 = arith.constant 5120 : i32
    %add3A_65 = arith.addi %mul3A_2, %add3A_64 : i32
    %dma_start3A_66 = arith.constant 0 : i32
    %dma_start3A_67 = tpu.memref_slice %arg6[%add3A_65, %dma_start3A_66] : memref<524288x128xi32, #tpu.memory_space<hbm>> -> memref<512x128xi32, #tpu.memory_space<hbm>>
    %dma_start3A_68 = arith.constant 0 : i32
    %dma_start3A_69 = tpu.memref_slice %arg6[%add3A_65, %dma_start3A_68] : memref<524288x128xi32, #tpu.memory_space<hbm>> -> memref<512x128xi32, #tpu.memory_space<hbm>>
    tpu.enqueue_dma source(%arg7 : memref<512x128xi32, #tpu.memory_space<vmem>>) target(%dma_start3A_69 : memref<512x128xi32, #tpu.memory_space<hbm>>) target_semaphore(%arg11 : memref<!tpu.dma_semaphore, #tpu.memory_space<semaphore_mem>>)
    %add3A_70 = arith.constant 5632 : i32
    %add3A_71 = arith.addi %mul3A_2, %add3A_70 : i32
    %dma_start3A_72 = arith.constant 0 : i32
    %dma_start3A_73 = tpu.memref_slice %arg6[%add3A_71, %dma_start3A_72] : memref<524288x128xi32, #tpu.memory_space<hbm>> -> memref<512x128xi32, #tpu.memory_space<hbm>>
    %dma_start3A_74 = arith.constant 0 : i32
    %dma_start3A_75 = tpu.memref_slice %arg6[%add3A_71, %dma_start3A_74] : memref<524288x128xi32, #tpu.memory_space<hbm>> -> memref<512x128xi32, #tpu.memory_space<hbm>>
    tpu.enqueue_dma source(%arg7 : memref<512x128xi32, #tpu.memory_space<vmem>>) target(%dma_start3A_75 : memref<512x128xi32, #tpu.memory_space<hbm>>) target_semaphore(%arg11 : memref<!tpu.dma_semaphore, #tpu.memory_space<semaphore_mem>>)
    %add3A_76 = arith.constant 6144 : i32
    %add3A_77 = arith.addi %mul3A_2, %add3A_76 : i32
    %dma_start3A_78 = arith.constant 0 : i32
    %dma_start3A_79 = tpu.memref_slice %arg6[%add3A_77, %dma_start3A_78] : memref<524288x128xi32, #tpu.memory_space<hbm>> -> memref<512x128xi32, #tpu.memory_space<hbm>>
    %dma_start3A_80 = arith.constant 0 : i32
    %dma_start3A_81 = tpu.memref_slice %arg6[%add3A_77, %dma_start3A_80] : memref<524288x128xi32, #tpu.memory_space<hbm>> -> memref<512x128xi32, #tpu.memory_space<hbm>>
    tpu.enqueue_dma source(%arg7 : memref<512x128xi32, #tpu.memory_space<vmem>>) target(%dma_start3A_81 : memref<512x128xi32, #tpu.memory_space<hbm>>) target_semaphore(%arg11 : memref<!tpu.dma_semaphore, #tpu.memory_space<semaphore_mem>>)
    %add3A_82 = arith.constant 6656 : i32
    %add3A_83 = arith.addi %mul3A_2, %add3A_82 : i32
    %dma_start3A_84 = arith.constant 0 : i32
    %dma_start3A_85 = tpu.memref_slice %arg6[%add3A_83, %dma_start3A_84] : memref<524288x128xi32, #tpu.memory_space<hbm>> -> memref<512x128xi32, #tpu.memory_space<hbm>>
    %dma_start3A_86 = arith.constant 0 : i32
    %dma_start3A_87 = tpu.memref_slice %arg6[%add3A_83, %dma_start3A_86] : memref<524288x128xi32, #tpu.memory_space<hbm>> -> memref<512x128xi32, #tpu.memory_space<hbm>>
    tpu.enqueue_dma source(%arg7 : memref<512x128xi32, #tpu.memory_space<vmem>>) target(%dma_start3A_87 : memref<512x128xi32, #tpu.memory_space<hbm>>) target_semaphore(%arg11 : memref<!tpu.dma_semaphore, #tpu.memory_space<semaphore_mem>>)
    %add3A_88 = arith.constant 7168 : i32
    %add3A_89 = arith.addi %mul3A_2, %add3A_88 : i32
    %dma_start3A_90 = arith.constant 0 : i32
    %dma_start3A_91 = tpu.memref_slice %arg6[%add3A_89, %dma_start3A_90] : memref<524288x128xi32, #tpu.memory_space<hbm>> -> memref<512x128xi32, #tpu.memory_space<hbm>>
    %dma_start3A_92 = arith.constant 0 : i32
    %dma_start3A_93 = tpu.memref_slice %arg6[%add3A_89, %dma_start3A_92] : memref<524288x128xi32, #tpu.memory_space<hbm>> -> memref<512x128xi32, #tpu.memory_space<hbm>>
    tpu.enqueue_dma source(%arg7 : memref<512x128xi32, #tpu.memory_space<vmem>>) target(%dma_start3A_93 : memref<512x128xi32, #tpu.memory_space<hbm>>) target_semaphore(%arg11 : memref<!tpu.dma_semaphore, #tpu.memory_space<semaphore_mem>>)
    %add3A_94 = arith.constant 7680 : i32
    %add3A_95 = arith.addi %mul3A_2, %add3A_94 : i32
    %dma_start3A_96 = arith.constant 0 : i32
    %dma_start3A_97 = tpu.memref_slice %arg6[%add3A_95, %dma_start3A_96] : memref<524288x128xi32, #tpu.memory_space<hbm>> -> memref<512x128xi32, #tpu.memory_space<hbm>>
    %dma_start3A_98 = arith.constant 0 : i32
    %dma_start3A_99 = tpu.memref_slice %arg6[%add3A_95, %dma_start3A_98] : memref<524288x128xi32, #tpu.memory_space<hbm>> -> memref<512x128xi32, #tpu.memory_space<hbm>>
    tpu.enqueue_dma source(%arg7 : memref<512x128xi32, #tpu.memory_space<vmem>>) target(%dma_start3A_99 : memref<512x128xi32, #tpu.memory_space<hbm>>) target_semaphore(%arg11 : memref<!tpu.dma_semaphore, #tpu.memory_space<semaphore_mem>>)
    %add3A_100 = arith.constant 8192 : i32
    %add3A_101 = arith.addi %mul3A_2, %add3A_100 : i32
    %dma_start3A_102 = arith.constant 0 : i32
    %dma_start3A_103 = tpu.memref_slice %arg6[%add3A_101, %dma_start3A_102] : memref<524288x128xi32, #tpu.memory_space<hbm>> -> memref<512x128xi32, #tpu.memory_space<hbm>>
    %dma_start3A_104 = arith.constant 0 : i32
    %dma_start3A_105 = tpu.memref_slice %arg6[%add3A_101, %dma_start3A_104] : memref<524288x128xi32, #tpu.memory_space<hbm>> -> memref<512x128xi32, #tpu.memory_space<hbm>>
    tpu.enqueue_dma source(%arg7 : memref<512x128xi32, #tpu.memory_space<vmem>>) target(%dma_start3A_105 : memref<512x128xi32, #tpu.memory_space<hbm>>) target_semaphore(%arg11 : memref<!tpu.dma_semaphore, #tpu.memory_space<semaphore_mem>>)
    %add3A_106 = arith.constant 8704 : i32
    %add3A_107 = arith.addi %mul3A_2, %add3A_106 : i32
    %dma_start3A_108 = arith.constant 0 : i32
    %dma_start3A_109 = tpu.memref_slice %arg6[%add3A_107, %dma_start3A_108] : memref<524288x128xi32, #tpu.memory_space<hbm>> -> memref<512x128xi32, #tpu.memory_space<hbm>>
    %dma_start3A_110 = arith.constant 0 : i32
    %dma_start3A_111 = tpu.memref_slice %arg6[%add3A_107, %dma_start3A_110] : memref<524288x128xi32, #tpu.memory_space<hbm>> -> memref<512x128xi32, #tpu.memory_space<hbm>>
    tpu.enqueue_dma source(%arg7 : memref<512x128xi32, #tpu.memory_space<vmem>>) target(%dma_start3A_111 : memref<512x128xi32, #tpu.memory_space<hbm>>) target_semaphore(%arg11 : memref<!tpu.dma_semaphore, #tpu.memory_space<semaphore_mem>>)
    %add3A_112 = arith.constant 9216 : i32
    %add3A_113 = arith.addi %mul3A_2, %add3A_112 : i32
    %dma_start3A_114 = arith.constant 0 : i32
    %dma_start3A_115 = tpu.memref_slice %arg6[%add3A_113, %dma_start3A_114] : memref<524288x128xi32, #tpu.memory_space<hbm>> -> memref<512x128xi32, #tpu.memory_space<hbm>>
    %dma_start3A_116 = arith.constant 0 : i32
    %dma_start3A_117 = tpu.memref_slice %arg6[%add3A_113, %dma_start3A_116] : memref<524288x128xi32, #tpu.memory_space<hbm>> -> memref<512x128xi32, #tpu.memory_space<hbm>>
    tpu.enqueue_dma source(%arg7 : memref<512x128xi32, #tpu.memory_space<vmem>>) target(%dma_start3A_117 : memref<512x128xi32, #tpu.memory_space<hbm>>) target_semaphore(%arg11 : memref<!tpu.dma_semaphore, #tpu.memory_space<semaphore_mem>>)
    %add3A_118 = arith.constant 9728 : i32
    %add3A_119 = arith.addi %mul3A_2, %add3A_118 : i32
    %dma_start3A_120 = arith.constant 0 : i32
    %dma_start3A_121 = tpu.memref_slice %arg6[%add3A_119, %dma_start3A_120] : memref<524288x128xi32, #tpu.memory_space<hbm>> -> memref<512x128xi32, #tpu.memory_space<hbm>>
    %dma_start3A_122 = arith.constant 0 : i32
    %dma_start3A_123 = tpu.memref_slice %arg6[%add3A_119, %dma_start3A_122] : memref<524288x128xi32, #tpu.memory_space<hbm>> -> memref<512x128xi32, #tpu.memory_space<hbm>>
    tpu.enqueue_dma source(%arg7 : memref<512x128xi32, #tpu.memory_space<vmem>>) target(%dma_start3A_123 : memref<512x128xi32, #tpu.memory_space<hbm>>) target_semaphore(%arg11 : memref<!tpu.dma_semaphore, #tpu.memory_space<semaphore_mem>>)
    %add3A_124 = arith.constant 10240 : i32
    %add3A_125 = arith.addi %mul3A_2, %add3A_124 : i32
    %dma_start3A_126 = arith.constant 0 : i32
    %dma_start3A_127 = tpu.memref_slice %arg6[%add3A_125, %dma_start3A_126] : memref<524288x128xi32, #tpu.memory_space<hbm>> -> memref<512x128xi32, #tpu.memory_space<hbm>>
    %dma_start3A_128 = arith.constant 0 : i32
    %dma_start3A_129 = tpu.memref_slice %arg6[%add3A_125, %dma_start3A_128] : memref<524288x128xi32, #tpu.memory_space<hbm>> -> memref<512x128xi32, #tpu.memory_space<hbm>>
    tpu.enqueue_dma source(%arg7 : memref<512x128xi32, #tpu.memory_space<vmem>>) target(%dma_start3A_129 : memref<512x128xi32, #tpu.memory_space<hbm>>) target_semaphore(%arg11 : memref<!tpu.dma_semaphore, #tpu.memory_space<semaphore_mem>>)
    %add3A_130 = arith.constant 10752 : i32
    %add3A_131 = arith.addi %mul3A_2, %add3A_130 : i32
    %dma_start3A_132 = arith.constant 0 : i32
    %dma_start3A_133 = tpu.memref_slice %arg6[%add3A_131, %dma_start3A_132] : memref<524288x128xi32, #tpu.memory_space<hbm>> -> memref<512x128xi32, #tpu.memory_space<hbm>>
    %dma_start3A_134 = arith.constant 0 : i32
    %dma_start3A_135 = tpu.memref_slice %arg6[%add3A_131, %dma_start3A_134] : memref<524288x128xi32, #tpu.memory_space<hbm>> -> memref<512x128xi32, #tpu.memory_space<hbm>>
    tpu.enqueue_dma source(%arg7 : memref<512x128xi32, #tpu.memory_space<vmem>>) target(%dma_start3A_135 : memref<512x128xi32, #tpu.memory_space<hbm>>) target_semaphore(%arg11 : memref<!tpu.dma_semaphore, #tpu.memory_space<semaphore_mem>>)
    %add3A_136 = arith.constant 11264 : i32
    %add3A_137 = arith.addi %mul3A_2, %add3A_136 : i32
    %dma_start3A_138 = arith.constant 0 : i32
    %dma_start3A_139 = tpu.memref_slice %arg6[%add3A_137, %dma_start3A_138] : memref<524288x128xi32, #tpu.memory_space<hbm>> -> memref<512x128xi32, #tpu.memory_space<hbm>>
    %dma_start3A_140 = arith.constant 0 : i32
    %dma_start3A_141 = tpu.memref_slice %arg6[%add3A_137, %dma_start3A_140] : memref<524288x128xi32, #tpu.memory_space<hbm>> -> memref<512x128xi32, #tpu.memory_space<hbm>>
    tpu.enqueue_dma source(%arg7 : memref<512x128xi32, #tpu.memory_space<vmem>>) target(%dma_start3A_141 : memref<512x128xi32, #tpu.memory_space<hbm>>) target_semaphore(%arg11 : memref<!tpu.dma_semaphore, #tpu.memory_space<semaphore_mem>>)
    %add3A_142 = arith.constant 11776 : i32
    %add3A_143 = arith.addi %mul3A_2, %add3A_142 : i32
    %dma_start3A_144 = arith.constant 0 : i32
    %dma_start3A_145 = tpu.memref_slice %arg6[%add3A_143, %dma_start3A_144] : memref<524288x128xi32, #tpu.memory_space<hbm>> -> memref<512x128xi32, #tpu.memory_space<hbm>>
    %dma_start3A_146 = arith.constant 0 : i32
    %dma_start3A_147 = tpu.memref_slice %arg6[%add3A_143, %dma_start3A_146] : memref<524288x128xi32, #tpu.memory_space<hbm>> -> memref<512x128xi32, #tpu.memory_space<hbm>>
    tpu.enqueue_dma source(%arg7 : memref<512x128xi32, #tpu.memory_space<vmem>>) target(%dma_start3A_147 : memref<512x128xi32, #tpu.memory_space<hbm>>) target_semaphore(%arg11 : memref<!tpu.dma_semaphore, #tpu.memory_space<semaphore_mem>>)
    %add3A_148 = arith.constant 12288 : i32
    %add3A_149 = arith.addi %mul3A_2, %add3A_148 : i32
    %dma_start3A_150 = arith.constant 0 : i32
    %dma_start3A_151 = tpu.memref_slice %arg6[%add3A_149, %dma_start3A_150] : memref<524288x128xi32, #tpu.memory_space<hbm>> -> memref<512x128xi32, #tpu.memory_space<hbm>>
    %dma_start3A_152 = arith.constant 0 : i32
    %dma_start3A_153 = tpu.memref_slice %arg6[%add3A_149, %dma_start3A_152] : memref<524288x128xi32, #tpu.memory_space<hbm>> -> memref<512x128xi32, #tpu.memory_space<hbm>>
    tpu.enqueue_dma source(%arg7 : memref<512x128xi32, #tpu.memory_space<vmem>>) target(%dma_start3A_153 : memref<512x128xi32, #tpu.memory_space<hbm>>) target_semaphore(%arg11 : memref<!tpu.dma_semaphore, #tpu.memory_space<semaphore_mem>>)
    %add3A_154 = arith.constant 12800 : i32
    %add3A_155 = arith.addi %mul3A_2, %add3A_154 : i32
    %dma_start3A_156 = arith.constant 0 : i32
    %dma_start3A_157 = tpu.memref_slice %arg6[%add3A_155, %dma_start3A_156] : memref<524288x128xi32, #tpu.memory_space<hbm>> -> memref<512x128xi32, #tpu.memory_space<hbm>>
    %dma_start3A_158 = arith.constant 0 : i32
    %dma_start3A_159 = tpu.memref_slice %arg6[%add3A_155, %dma_start3A_158] : memref<524288x128xi32, #tpu.memory_space<hbm>> -> memref<512x128xi32, #tpu.memory_space<hbm>>
    tpu.enqueue_dma source(%arg7 : memref<512x128xi32, #tpu.memory_space<vmem>>) target(%dma_start3A_159 : memref<512x128xi32, #tpu.memory_space<hbm>>) target_semaphore(%arg11 : memref<!tpu.dma_semaphore, #tpu.memory_space<semaphore_mem>>)
    %add3A_160 = arith.constant 13312 : i32
    %add3A_161 = arith.addi %mul3A_2, %add3A_160 : i32
    %dma_start3A_162 = arith.constant 0 : i32
    %dma_start3A_163 = tpu.memref_slice %arg6[%add3A_161, %dma_start3A_162] : memref<524288x128xi32, #tpu.memory_space<hbm>> -> memref<512x128xi32, #tpu.memory_space<hbm>>
    %dma_start3A_164 = arith.constant 0 : i32
    %dma_start3A_165 = tpu.memref_slice %arg6[%add3A_161, %dma_start3A_164] : memref<524288x128xi32, #tpu.memory_space<hbm>> -> memref<512x128xi32, #tpu.memory_space<hbm>>
    tpu.enqueue_dma source(%arg7 : memref<512x128xi32, #tpu.memory_space<vmem>>) target(%dma_start3A_165 : memref<512x128xi32, #tpu.memory_space<hbm>>) target_semaphore(%arg11 : memref<!tpu.dma_semaphore, #tpu.memory_space<semaphore_mem>>)
    %add3A_166 = arith.constant 13824 : i32
    %add3A_167 = arith.addi %mul3A_2, %add3A_166 : i32
    %dma_start3A_168 = arith.constant 0 : i32
    %dma_start3A_169 = tpu.memref_slice %arg6[%add3A_167, %dma_start3A_168] : memref<524288x128xi32, #tpu.memory_space<hbm>> -> memref<512x128xi32, #tpu.memory_space<hbm>>
    %dma_start3A_170 = arith.constant 0 : i32
    %dma_start3A_171 = tpu.memref_slice %arg6[%add3A_167, %dma_start3A_170] : memref<524288x128xi32, #tpu.memory_space<hbm>> -> memref<512x128xi32, #tpu.memory_space<hbm>>
    tpu.enqueue_dma source(%arg7 : memref<512x128xi32, #tpu.memory_space<vmem>>) target(%dma_start3A_171 : memref<512x128xi32, #tpu.memory_space<hbm>>) target_semaphore(%arg11 : memref<!tpu.dma_semaphore, #tpu.memory_space<semaphore_mem>>)
    %add3A_172 = arith.constant 14336 : i32
    %add3A_173 = arith.addi %mul3A_2, %add3A_172 : i32
    %dma_start3A_174 = arith.constant 0 : i32
    %dma_start3A_175 = tpu.memref_slice %arg6[%add3A_173, %dma_start3A_174] : memref<524288x128xi32, #tpu.memory_space<hbm>> -> memref<512x128xi32, #tpu.memory_space<hbm>>
    %dma_start3A_176 = arith.constant 0 : i32
    %dma_start3A_177 = tpu.memref_slice %arg6[%add3A_173, %dma_start3A_176] : memref<524288x128xi32, #tpu.memory_space<hbm>> -> memref<512x128xi32, #tpu.memory_space<hbm>>
    tpu.enqueue_dma source(%arg7 : memref<512x128xi32, #tpu.memory_space<vmem>>) target(%dma_start3A_177 : memref<512x128xi32, #tpu.memory_space<hbm>>) target_semaphore(%arg11 : memref<!tpu.dma_semaphore, #tpu.memory_space<semaphore_mem>>)
    %add3A_178 = arith.constant 14848 : i32
    %add3A_179 = arith.addi %mul3A_2, %add3A_178 : i32
    %dma_start3A_180 = arith.constant 0 : i32
    %dma_start3A_181 = tpu.memref_slice %arg6[%add3A_179, %dma_start3A_180] : memref<524288x128xi32, #tpu.memory_space<hbm>> -> memref<512x128xi32, #tpu.memory_space<hbm>>
    %dma_start3A_182 = arith.constant 0 : i32
    %dma_start3A_183 = tpu.memref_slice %arg6[%add3A_179, %dma_start3A_182] : memref<524288x128xi32, #tpu.memory_space<hbm>> -> memref<512x128xi32, #tpu.memory_space<hbm>>
    tpu.enqueue_dma source(%arg7 : memref<512x128xi32, #tpu.memory_space<vmem>>) target(%dma_start3A_183 : memref<512x128xi32, #tpu.memory_space<hbm>>) target_semaphore(%arg11 : memref<!tpu.dma_semaphore, #tpu.memory_space<semaphore_mem>>)
    %add3A_184 = arith.constant 15360 : i32
    %add3A_185 = arith.addi %mul3A_2, %add3A_184 : i32
    %dma_start3A_186 = arith.constant 0 : i32
    %dma_start3A_187 = tpu.memref_slice %arg6[%add3A_185, %dma_start3A_186] : memref<524288x128xi32, #tpu.memory_space<hbm>> -> memref<512x128xi32, #tpu.memory_space<hbm>>
    %dma_start3A_188 = arith.constant 0 : i32
    %dma_start3A_189 = tpu.memref_slice %arg6[%add3A_185, %dma_start3A_188] : memref<524288x128xi32, #tpu.memory_space<hbm>> -> memref<512x128xi32, #tpu.memory_space<hbm>>
    tpu.enqueue_dma source(%arg7 : memref<512x128xi32, #tpu.memory_space<vmem>>) target(%dma_start3A_189 : memref<512x128xi32, #tpu.memory_space<hbm>>) target_semaphore(%arg11 : memref<!tpu.dma_semaphore, #tpu.memory_space<semaphore_mem>>)
    %add3A_190 = arith.constant 15872 : i32
    %add3A_191 = arith.addi %mul3A_2, %add3A_190 : i32
    %dma_start3A_192 = arith.constant 0 : i32
    %dma_start3A_193 = tpu.memref_slice %arg6[%add3A_191, %dma_start3A_192] : memref<524288x128xi32, #tpu.memory_space<hbm>> -> memref<512x128xi32, #tpu.memory_space<hbm>>
    %dma_start3A_194 = arith.constant 0 : i32
    %dma_start3A_195 = tpu.memref_slice %arg6[%add3A_191, %dma_start3A_194] : memref<524288x128xi32, #tpu.memory_space<hbm>> -> memref<512x128xi32, #tpu.memory_space<hbm>>
    tpu.enqueue_dma source(%arg7 : memref<512x128xi32, #tpu.memory_space<vmem>>) target(%dma_start3A_195 : memref<512x128xi32, #tpu.memory_space<hbm>>) target_semaphore(%arg11 : memref<!tpu.dma_semaphore, #tpu.memory_space<semaphore_mem>>)
    %dma_wait3A = arith.constant 0 : i32
    %dma_wait3A_196 = tpu.memref_slice %arg6[%add3A_6, %dma_wait3A] : memref<524288x128xi32, #tpu.memory_space<hbm>> -> memref<512x128xi32, #tpu.memory_space<hbm>>
    %dma_wait3A_197 = arith.constant 0 : i32
    %dma_wait3A_198 = tpu.memref_slice %arg6[%add3A_6, %dma_wait3A_197] : memref<524288x128xi32, #tpu.memory_space<hbm>> -> memref<512x128xi32, #tpu.memory_space<hbm>>
    tpu.wait_dma2 semaphore(%arg11 : memref<!tpu.dma_semaphore, #tpu.memory_space<semaphore_mem>>) src(%arg7 : memref<512x128xi32, #tpu.memory_space<vmem>>) dst(%dma_wait3A_198 : memref<512x128xi32, #tpu.memory_space<hbm>>)
    %dma_wait3A_199 = arith.constant 0 : i32
    %dma_wait3A_200 = tpu.memref_slice %arg6[%add3A_11, %dma_wait3A_199] : memref<524288x128xi32, #tpu.memory_space<hbm>> -> memref<512x128xi32, #tpu.memory_space<hbm>>
    %dma_wait3A_201 = arith.constant 0 : i32
    %dma_wait3A_202 = tpu.memref_slice %arg6[%add3A_11, %dma_wait3A_201] : memref<524288x128xi32, #tpu.memory_space<hbm>> -> memref<512x128xi32, #tpu.memory_space<hbm>>
    tpu.wait_dma2 semaphore(%arg11 : memref<!tpu.dma_semaphore, #tpu.memory_space<semaphore_mem>>) src(%arg7 : memref<512x128xi32, #tpu.memory_space<vmem>>) dst(%dma_wait3A_202 : memref<512x128xi32, #tpu.memory_space<hbm>>)
    %dma_wait3A_203 = arith.constant 0 : i32
    %dma_wait3A_204 = tpu.memref_slice %arg6[%add3A_17, %dma_wait3A_203] : memref<524288x128xi32, #tpu.memory_space<hbm>> -> memref<512x128xi32, #tpu.memory_space<hbm>>
    %dma_wait3A_205 = arith.constant 0 : i32
    %dma_wait3A_206 = tpu.memref_slice %arg6[%add3A_17, %dma_wait3A_205] : memref<524288x128xi32, #tpu.memory_space<hbm>> -> memref<512x128xi32, #tpu.memory_space<hbm>>
    tpu.wait_dma2 semaphore(%arg11 : memref<!tpu.dma_semaphore, #tpu.memory_space<semaphore_mem>>) src(%arg7 : memref<512x128xi32, #tpu.memory_space<vmem>>) dst(%dma_wait3A_206 : memref<512x128xi32, #tpu.memory_space<hbm>>)
    %dma_wait3A_207 = arith.constant 0 : i32
    %dma_wait3A_208 = tpu.memref_slice %arg6[%add3A_23, %dma_wait3A_207] : memref<524288x128xi32, #tpu.memory_space<hbm>> -> memref<512x128xi32, #tpu.memory_space<hbm>>
    %dma_wait3A_209 = arith.constant 0 : i32
    %dma_wait3A_210 = tpu.memref_slice %arg6[%add3A_23, %dma_wait3A_209] : memref<524288x128xi32, #tpu.memory_space<hbm>> -> memref<512x128xi32, #tpu.memory_space<hbm>>
    tpu.wait_dma2 semaphore(%arg11 : memref<!tpu.dma_semaphore, #tpu.memory_space<semaphore_mem>>) src(%arg7 : memref<512x128xi32, #tpu.memory_space<vmem>>) dst(%dma_wait3A_210 : memref<512x128xi32, #tpu.memory_space<hbm>>)
    %dma_wait3A_211 = arith.constant 0 : i32
    %dma_wait3A_212 = tpu.memref_slice %arg6[%add3A_29, %dma_wait3A_211] : memref<524288x128xi32, #tpu.memory_space<hbm>> -> memref<512x128xi32, #tpu.memory_space<hbm>>
    %dma_wait3A_213 = arith.constant 0 : i32
    %dma_wait3A_214 = tpu.memref_slice %arg6[%add3A_29, %dma_wait3A_213] : memref<524288x128xi32, #tpu.memory_space<hbm>> -> memref<512x128xi32, #tpu.memory_space<hbm>>
    tpu.wait_dma2 semaphore(%arg11 : memref<!tpu.dma_semaphore, #tpu.memory_space<semaphore_mem>>) src(%arg7 : memref<512x128xi32, #tpu.memory_space<vmem>>) dst(%dma_wait3A_214 : memref<512x128xi32, #tpu.memory_space<hbm>>)
    %dma_wait3A_215 = arith.constant 0 : i32
    %dma_wait3A_216 = tpu.memref_slice %arg6[%add3A_35, %dma_wait3A_215] : memref<524288x128xi32, #tpu.memory_space<hbm>> -> memref<512x128xi32, #tpu.memory_space<hbm>>
    %dma_wait3A_217 = arith.constant 0 : i32
    %dma_wait3A_218 = tpu.memref_slice %arg6[%add3A_35, %dma_wait3A_217] : memref<524288x128xi32, #tpu.memory_space<hbm>> -> memref<512x128xi32, #tpu.memory_space<hbm>>
    tpu.wait_dma2 semaphore(%arg11 : memref<!tpu.dma_semaphore, #tpu.memory_space<semaphore_mem>>) src(%arg7 : memref<512x128xi32, #tpu.memory_space<vmem>>) dst(%dma_wait3A_218 : memref<512x128xi32, #tpu.memory_space<hbm>>)
    %dma_wait3A_219 = arith.constant 0 : i32
    %dma_wait3A_220 = tpu.memref_slice %arg6[%add3A_41, %dma_wait3A_219] : memref<524288x128xi32, #tpu.memory_space<hbm>> -> memref<512x128xi32, #tpu.memory_space<hbm>>
    %dma_wait3A_221 = arith.constant 0 : i32
    %dma_wait3A_222 = tpu.memref_slice %arg6[%add3A_41, %dma_wait3A_221] : memref<524288x128xi32, #tpu.memory_space<hbm>> -> memref<512x128xi32, #tpu.memory_space<hbm>>
    tpu.wait_dma2 semaphore(%arg11 : memref<!tpu.dma_semaphore, #tpu.memory_space<semaphore_mem>>) src(%arg7 : memref<512x128xi32, #tpu.memory_space<vmem>>) dst(%dma_wait3A_222 : memref<512x128xi32, #tpu.memory_space<hbm>>)
    %dma_wait3A_223 = arith.constant 0 : i32
    %dma_wait3A_224 = tpu.memref_slice %arg6[%add3A_47, %dma_wait3A_223] : memref<524288x128xi32, #tpu.memory_space<hbm>> -> memref<512x128xi32, #tpu.memory_space<hbm>>
    %dma_wait3A_225 = arith.constant 0 : i32
    %dma_wait3A_226 = tpu.memref_slice %arg6[%add3A_47, %dma_wait3A_225] : memref<524288x128xi32, #tpu.memory_space<hbm>> -> memref<512x128xi32, #tpu.memory_space<hbm>>
    tpu.wait_dma2 semaphore(%arg11 : memref<!tpu.dma_semaphore, #tpu.memory_space<semaphore_mem>>) src(%arg7 : memref<512x128xi32, #tpu.memory_space<vmem>>) dst(%dma_wait3A_226 : memref<512x128xi32, #tpu.memory_space<hbm>>)
    %dma_wait3A_227 = arith.constant 0 : i32
    %dma_wait3A_228 = tpu.memref_slice %arg6[%add3A_53, %dma_wait3A_227] : memref<524288x128xi32, #tpu.memory_space<hbm>> -> memref<512x128xi32, #tpu.memory_space<hbm>>
    %dma_wait3A_229 = arith.constant 0 : i32
    %dma_wait3A_230 = tpu.memref_slice %arg6[%add3A_53, %dma_wait3A_229] : memref<524288x128xi32, #tpu.memory_space<hbm>> -> memref<512x128xi32, #tpu.memory_space<hbm>>
    tpu.wait_dma2 semaphore(%arg11 : memref<!tpu.dma_semaphore, #tpu.memory_space<semaphore_mem>>) src(%arg7 : memref<512x128xi32, #tpu.memory_space<vmem>>) dst(%dma_wait3A_230 : memref<512x128xi32, #tpu.memory_space<hbm>>)
    %dma_wait3A_231 = arith.constant 0 : i32
    %dma_wait3A_232 = tpu.memref_slice %arg6[%add3A_59, %dma_wait3A_231] : memref<524288x128xi32, #tpu.memory_space<hbm>> -> memref<512x128xi32, #tpu.memory_space<hbm>>
    %dma_wait3A_233 = arith.constant 0 : i32
    %dma_wait3A_234 = tpu.memref_slice %arg6[%add3A_59, %dma_wait3A_233] : memref<524288x128xi32, #tpu.memory_space<hbm>> -> memref<512x128xi32, #tpu.memory_space<hbm>>
    tpu.wait_dma2 semaphore(%arg11 : memref<!tpu.dma_semaphore, #tpu.memory_space<semaphore_mem>>) src(%arg7 : memref<512x128xi32, #tpu.memory_space<vmem>>) dst(%dma_wait3A_234 : memref<512x128xi32, #tpu.memory_space<hbm>>)
    %dma_wait3A_235 = arith.constant 0 : i32
    %dma_wait3A_236 = tpu.memref_slice %arg6[%add3A_65, %dma_wait3A_235] : memref<524288x128xi32, #tpu.memory_space<hbm>> -> memref<512x128xi32, #tpu.memory_space<hbm>>
    %dma_wait3A_237 = arith.constant 0 : i32
    %dma_wait3A_238 = tpu.memref_slice %arg6[%add3A_65, %dma_wait3A_237] : memref<524288x128xi32, #tpu.memory_space<hbm>> -> memref<512x128xi32, #tpu.memory_space<hbm>>
    tpu.wait_dma2 semaphore(%arg11 : memref<!tpu.dma_semaphore, #tpu.memory_space<semaphore_mem>>) src(%arg7 : memref<512x128xi32, #tpu.memory_space<vmem>>) dst(%dma_wait3A_238 : memref<512x128xi32, #tpu.memory_space<hbm>>)
    %dma_wait3A_239 = arith.constant 0 : i32
    %dma_wait3A_240 = tpu.memref_slice %arg6[%add3A_71, %dma_wait3A_239] : memref<524288x128xi32, #tpu.memory_space<hbm>> -> memref<512x128xi32, #tpu.memory_space<hbm>>
    %dma_wait3A_241 = arith.constant 0 : i32
    %dma_wait3A_242 = tpu.memref_slice %arg6[%add3A_71, %dma_wait3A_241] : memref<524288x128xi32, #tpu.memory_space<hbm>> -> memref<512x128xi32, #tpu.memory_space<hbm>>
    tpu.wait_dma2 semaphore(%arg11 : memref<!tpu.dma_semaphore, #tpu.memory_space<semaphore_mem>>) src(%arg7 : memref<512x128xi32, #tpu.memory_space<vmem>>) dst(%dma_wait3A_242 : memref<512x128xi32, #tpu.memory_space<hbm>>)
    %dma_wait3A_243 = arith.constant 0 : i32
    %dma_wait3A_244 = tpu.memref_slice %arg6[%add3A_77, %dma_wait3A_243] : memref<524288x128xi32, #tpu.memory_space<hbm>> -> memref<512x128xi32, #tpu.memory_space<hbm>>
    %dma_wait3A_245 = arith.constant 0 : i32
    %dma_wait3A_246 = tpu.memref_slice %arg6[%add3A_77, %dma_wait3A_245] : memref<524288x128xi32, #tpu.memory_space<hbm>> -> memref<512x128xi32, #tpu.memory_space<hbm>>
    tpu.wait_dma2 semaphore(%arg11 : memref<!tpu.dma_semaphore, #tpu.memory_space<semaphore_mem>>) src(%arg7 : memref<512x128xi32, #tpu.memory_space<vmem>>) dst(%dma_wait3A_246 : memref<512x128xi32, #tpu.memory_space<hbm>>)
    %dma_wait3A_247 = arith.constant 0 : i32
    %dma_wait3A_248 = tpu.memref_slice %arg6[%add3A_83, %dma_wait3A_247] : memref<524288x128xi32, #tpu.memory_space<hbm>> -> memref<512x128xi32, #tpu.memory_space<hbm>>
    %dma_wait3A_249 = arith.constant 0 : i32
    %dma_wait3A_250 = tpu.memref_slice %arg6[%add3A_83, %dma_wait3A_249] : memref<524288x128xi32, #tpu.memory_space<hbm>> -> memref<512x128xi32, #tpu.memory_space<hbm>>
    tpu.wait_dma2 semaphore(%arg11 : memref<!tpu.dma_semaphore, #tpu.memory_space<semaphore_mem>>) src(%arg7 : memref<512x128xi32, #tpu.memory_space<vmem>>) dst(%dma_wait3A_250 : memref<512x128xi32, #tpu.memory_space<hbm>>)
    %dma_wait3A_251 = arith.constant 0 : i32
    %dma_wait3A_252 = tpu.memref_slice %arg6[%add3A_89, %dma_wait3A_251] : memref<524288x128xi32, #tpu.memory_space<hbm>> -> memref<512x128xi32, #tpu.memory_space<hbm>>
    %dma_wait3A_253 = arith.constant 0 : i32
    %dma_wait3A_254 = tpu.memref_slice %arg6[%add3A_89, %dma_wait3A_253] : memref<524288x128xi32, #tpu.memory_space<hbm>> -> memref<512x128xi32, #tpu.memory_space<hbm>>
    tpu.wait_dma2 semaphore(%arg11 : memref<!tpu.dma_semaphore, #tpu.memory_space<semaphore_mem>>) src(%arg7 : memref<512x128xi32, #tpu.memory_space<vmem>>) dst(%dma_wait3A_254 : memref<512x128xi32, #tpu.memory_space<hbm>>)
    %dma_wait3A_255 = arith.constant 0 : i32
    %dma_wait3A_256 = tpu.memref_slice %arg6[%add3A_95, %dma_wait3A_255] : memref<524288x128xi32, #tpu.memory_space<hbm>> -> memref<512x128xi32, #tpu.memory_space<hbm>>
    %dma_wait3A_257 = arith.constant 0 : i32
    %dma_wait3A_258 = tpu.memref_slice %arg6[%add3A_95, %dma_wait3A_257] : memref<524288x128xi32, #tpu.memory_space<hbm>> -> memref<512x128xi32, #tpu.memory_space<hbm>>
    tpu.wait_dma2 semaphore(%arg11 : memref<!tpu.dma_semaphore, #tpu.memory_space<semaphore_mem>>) src(%arg7 : memref<512x128xi32, #tpu.memory_space<vmem>>) dst(%dma_wait3A_258 : memref<512x128xi32, #tpu.memory_space<hbm>>)
    %dma_wait3A_259 = arith.constant 0 : i32
    %dma_wait3A_260 = tpu.memref_slice %arg6[%add3A_101, %dma_wait3A_259] : memref<524288x128xi32, #tpu.memory_space<hbm>> -> memref<512x128xi32, #tpu.memory_space<hbm>>
    %dma_wait3A_261 = arith.constant 0 : i32
    %dma_wait3A_262 = tpu.memref_slice %arg6[%add3A_101, %dma_wait3A_261] : memref<524288x128xi32, #tpu.memory_space<hbm>> -> memref<512x128xi32, #tpu.memory_space<hbm>>
    tpu.wait_dma2 semaphore(%arg11 : memref<!tpu.dma_semaphore, #tpu.memory_space<semaphore_mem>>) src(%arg7 : memref<512x128xi32, #tpu.memory_space<vmem>>) dst(%dma_wait3A_262 : memref<512x128xi32, #tpu.memory_space<hbm>>)
    %dma_wait3A_263 = arith.constant 0 : i32
    %dma_wait3A_264 = tpu.memref_slice %arg6[%add3A_107, %dma_wait3A_263] : memref<524288x128xi32, #tpu.memory_space<hbm>> -> memref<512x128xi32, #tpu.memory_space<hbm>>
    %dma_wait3A_265 = arith.constant 0 : i32
    %dma_wait3A_266 = tpu.memref_slice %arg6[%add3A_107, %dma_wait3A_265] : memref<524288x128xi32, #tpu.memory_space<hbm>> -> memref<512x128xi32, #tpu.memory_space<hbm>>
    tpu.wait_dma2 semaphore(%arg11 : memref<!tpu.dma_semaphore, #tpu.memory_space<semaphore_mem>>) src(%arg7 : memref<512x128xi32, #tpu.memory_space<vmem>>) dst(%dma_wait3A_266 : memref<512x128xi32, #tpu.memory_space<hbm>>)
    %dma_wait3A_267 = arith.constant 0 : i32
    %dma_wait3A_268 = tpu.memref_slice %arg6[%add3A_113, %dma_wait3A_267] : memref<524288x128xi32, #tpu.memory_space<hbm>> -> memref<512x128xi32, #tpu.memory_space<hbm>>
    %dma_wait3A_269 = arith.constant 0 : i32
    %dma_wait3A_270 = tpu.memref_slice %arg6[%add3A_113, %dma_wait3A_269] : memref<524288x128xi32, #tpu.memory_space<hbm>> -> memref<512x128xi32, #tpu.memory_space<hbm>>
    tpu.wait_dma2 semaphore(%arg11 : memref<!tpu.dma_semaphore, #tpu.memory_space<semaphore_mem>>) src(%arg7 : memref<512x128xi32, #tpu.memory_space<vmem>>) dst(%dma_wait3A_270 : memref<512x128xi32, #tpu.memory_space<hbm>>)
    %dma_wait3A_271 = arith.constant 0 : i32
    %dma_wait3A_272 = tpu.memref_slice %arg6[%add3A_119, %dma_wait3A_271] : memref<524288x128xi32, #tpu.memory_space<hbm>> -> memref<512x128xi32, #tpu.memory_space<hbm>>
    %dma_wait3A_273 = arith.constant 0 : i32
    %dma_wait3A_274 = tpu.memref_slice %arg6[%add3A_119, %dma_wait3A_273] : memref<524288x128xi32, #tpu.memory_space<hbm>> -> memref<512x128xi32, #tpu.memory_space<hbm>>
    tpu.wait_dma2 semaphore(%arg11 : memref<!tpu.dma_semaphore, #tpu.memory_space<semaphore_mem>>) src(%arg7 : memref<512x128xi32, #tpu.memory_space<vmem>>) dst(%dma_wait3A_274 : memref<512x128xi32, #tpu.memory_space<hbm>>)
    %dma_wait3A_275 = arith.constant 0 : i32
    %dma_wait3A_276 = tpu.memref_slice %arg6[%add3A_125, %dma_wait3A_275] : memref<524288x128xi32, #tpu.memory_space<hbm>> -> memref<512x128xi32, #tpu.memory_space<hbm>>
    %dma_wait3A_277 = arith.constant 0 : i32
    %dma_wait3A_278 = tpu.memref_slice %arg6[%add3A_125, %dma_wait3A_277] : memref<524288x128xi32, #tpu.memory_space<hbm>> -> memref<512x128xi32, #tpu.memory_space<hbm>>
    tpu.wait_dma2 semaphore(%arg11 : memref<!tpu.dma_semaphore, #tpu.memory_space<semaphore_mem>>) src(%arg7 : memref<512x128xi32, #tpu.memory_space<vmem>>) dst(%dma_wait3A_278 : memref<512x128xi32, #tpu.memory_space<hbm>>)
    %dma_wait3A_279 = arith.constant 0 : i32
    %dma_wait3A_280 = tpu.memref_slice %arg6[%add3A_131, %dma_wait3A_279] : memref<524288x128xi32, #tpu.memory_space<hbm>> -> memref<512x128xi32, #tpu.memory_space<hbm>>
    %dma_wait3A_281 = arith.constant 0 : i32
    %dma_wait3A_282 = tpu.memref_slice %arg6[%add3A_131, %dma_wait3A_281] : memref<524288x128xi32, #tpu.memory_space<hbm>> -> memref<512x128xi32, #tpu.memory_space<hbm>>
    tpu.wait_dma2 semaphore(%arg11 : memref<!tpu.dma_semaphore, #tpu.memory_space<semaphore_mem>>) src(%arg7 : memref<512x128xi32, #tpu.memory_space<vmem>>) dst(%dma_wait3A_282 : memref<512x128xi32, #tpu.memory_space<hbm>>)
    %dma_wait3A_283 = arith.constant 0 : i32
    %dma_wait3A_284 = tpu.memref_slice %arg6[%add3A_137, %dma_wait3A_283] : memref<524288x128xi32, #tpu.memory_space<hbm>> -> memref<512x128xi32, #tpu.memory_space<hbm>>
    %dma_wait3A_285 = arith.constant 0 : i32
    %dma_wait3A_286 = tpu.memref_slice %arg6[%add3A_137, %dma_wait3A_285] : memref<524288x128xi32, #tpu.memory_space<hbm>> -> memref<512x128xi32, #tpu.memory_space<hbm>>
    tpu.wait_dma2 semaphore(%arg11 : memref<!tpu.dma_semaphore, #tpu.memory_space<semaphore_mem>>) src(%arg7 : memref<512x128xi32, #tpu.memory_space<vmem>>) dst(%dma_wait3A_286 : memref<512x128xi32, #tpu.memory_space<hbm>>)
    %dma_wait3A_287 = arith.constant 0 : i32
    %dma_wait3A_288 = tpu.memref_slice %arg6[%add3A_143, %dma_wait3A_287] : memref<524288x128xi32, #tpu.memory_space<hbm>> -> memref<512x128xi32, #tpu.memory_space<hbm>>
    %dma_wait3A_289 = arith.constant 0 : i32
    %dma_wait3A_290 = tpu.memref_slice %arg6[%add3A_143, %dma_wait3A_289] : memref<524288x128xi32, #tpu.memory_space<hbm>> -> memref<512x128xi32, #tpu.memory_space<hbm>>
    tpu.wait_dma2 semaphore(%arg11 : memref<!tpu.dma_semaphore, #tpu.memory_space<semaphore_mem>>) src(%arg7 : memref<512x128xi32, #tpu.memory_space<vmem>>) dst(%dma_wait3A_290 : memref<512x128xi32, #tpu.memory_space<hbm>>)
    %dma_wait3A_291 = arith.constant 0 : i32
    %dma_wait3A_292 = tpu.memref_slice %arg6[%add3A_149, %dma_wait3A_291] : memref<524288x128xi32, #tpu.memory_space<hbm>> -> memref<512x128xi32, #tpu.memory_space<hbm>>
    %dma_wait3A_293 = arith.constant 0 : i32
    %dma_wait3A_294 = tpu.memref_slice %arg6[%add3A_149, %dma_wait3A_293] : memref<524288x128xi32, #tpu.memory_space<hbm>> -> memref<512x128xi32, #tpu.memory_space<hbm>>
    tpu.wait_dma2 semaphore(%arg11 : memref<!tpu.dma_semaphore, #tpu.memory_space<semaphore_mem>>) src(%arg7 : memref<512x128xi32, #tpu.memory_space<vmem>>) dst(%dma_wait3A_294 : memref<512x128xi32, #tpu.memory_space<hbm>>)
    %dma_wait3A_295 = arith.constant 0 : i32
    %dma_wait3A_296 = tpu.memref_slice %arg6[%add3A_155, %dma_wait3A_295] : memref<524288x128xi32, #tpu.memory_space<hbm>> -> memref<512x128xi32, #tpu.memory_space<hbm>>
    %dma_wait3A_297 = arith.constant 0 : i32
    %dma_wait3A_298 = tpu.memref_slice %arg6[%add3A_155, %dma_wait3A_297] : memref<524288x128xi32, #tpu.memory_space<hbm>> -> memref<512x128xi32, #tpu.memory_space<hbm>>
    tpu.wait_dma2 semaphore(%arg11 : memref<!tpu.dma_semaphore, #tpu.memory_space<semaphore_mem>>) src(%arg7 : memref<512x128xi32, #tpu.memory_space<vmem>>) dst(%dma_wait3A_298 : memref<512x128xi32, #tpu.memory_space<hbm>>)
    %dma_wait3A_299 = arith.constant 0 : i32
    %dma_wait3A_300 = tpu.memref_slice %arg6[%add3A_161, %dma_wait3A_299] : memref<524288x128xi32, #tpu.memory_space<hbm>> -> memref<512x128xi32, #tpu.memory_space<hbm>>
    %dma_wait3A_301 = arith.constant 0 : i32
    %dma_wait3A_302 = tpu.memref_slice %arg6[%add3A_161, %dma_wait3A_301] : memref<524288x128xi32, #tpu.memory_space<hbm>> -> memref<512x128xi32, #tpu.memory_space<hbm>>
    tpu.wait_dma2 semaphore(%arg11 : memref<!tpu.dma_semaphore, #tpu.memory_space<semaphore_mem>>) src(%arg7 : memref<512x128xi32, #tpu.memory_space<vmem>>) dst(%dma_wait3A_302 : memref<512x128xi32, #tpu.memory_space<hbm>>)
    %dma_wait3A_303 = arith.constant 0 : i32
    %dma_wait3A_304 = tpu.memref_slice %arg6[%add3A_167, %dma_wait3A_303] : memref<524288x128xi32, #tpu.memory_space<hbm>> -> memref<512x128xi32, #tpu.memory_space<hbm>>
    %dma_wait3A_305 = arith.constant 0 : i32
    %dma_wait3A_306 = tpu.memref_slice %arg6[%add3A_167, %dma_wait3A_305] : memref<524288x128xi32, #tpu.memory_space<hbm>> -> memref<512x128xi32, #tpu.memory_space<hbm>>
    tpu.wait_dma2 semaphore(%arg11 : memref<!tpu.dma_semaphore, #tpu.memory_space<semaphore_mem>>) src(%arg7 : memref<512x128xi32, #tpu.memory_space<vmem>>) dst(%dma_wait3A_306 : memref<512x128xi32, #tpu.memory_space<hbm>>)
    %dma_wait3A_307 = arith.constant 0 : i32
    %dma_wait3A_308 = tpu.memref_slice %arg6[%add3A_173, %dma_wait3A_307] : memref<524288x128xi32, #tpu.memory_space<hbm>> -> memref<512x128xi32, #tpu.memory_space<hbm>>
    %dma_wait3A_309 = arith.constant 0 : i32
    %dma_wait3A_310 = tpu.memref_slice %arg6[%add3A_173, %dma_wait3A_309] : memref<524288x128xi32, #tpu.memory_space<hbm>> -> memref<512x128xi32, #tpu.memory_space<hbm>>
    tpu.wait_dma2 semaphore(%arg11 : memref<!tpu.dma_semaphore, #tpu.memory_space<semaphore_mem>>) src(%arg7 : memref<512x128xi32, #tpu.memory_space<vmem>>) dst(%dma_wait3A_310 : memref<512x128xi32, #tpu.memory_space<hbm>>)
    %dma_wait3A_311 = arith.constant 0 : i32
    %dma_wait3A_312 = tpu.memref_slice %arg6[%add3A_179, %dma_wait3A_311] : memref<524288x128xi32, #tpu.memory_space<hbm>> -> memref<512x128xi32, #tpu.memory_space<hbm>>
    %dma_wait3A_313 = arith.constant 0 : i32
    %dma_wait3A_314 = tpu.memref_slice %arg6[%add3A_179, %dma_wait3A_313] : memref<524288x128xi32, #tpu.memory_space<hbm>> -> memref<512x128xi32, #tpu.memory_space<hbm>>
    tpu.wait_dma2 semaphore(%arg11 : memref<!tpu.dma_semaphore, #tpu.memory_space<semaphore_mem>>) src(%arg7 : memref<512x128xi32, #tpu.memory_space<vmem>>) dst(%dma_wait3A_314 : memref<512x128xi32, #tpu.memory_space<hbm>>)
    %dma_wait3A_315 = arith.constant 0 : i32
    %dma_wait3A_316 = tpu.memref_slice %arg6[%add3A_185, %dma_wait3A_315] : memref<524288x128xi32, #tpu.memory_space<hbm>> -> memref<512x128xi32, #tpu.memory_space<hbm>>
    %dma_wait3A_317 = arith.constant 0 : i32
    %dma_wait3A_318 = tpu.memref_slice %arg6[%add3A_185, %dma_wait3A_317] : memref<524288x128xi32, #tpu.memory_space<hbm>> -> memref<512x128xi32, #tpu.memory_space<hbm>>
    tpu.wait_dma2 semaphore(%arg11 : memref<!tpu.dma_semaphore, #tpu.memory_space<semaphore_mem>>) src(%arg7 : memref<512x128xi32, #tpu.memory_space<vmem>>) dst(%dma_wait3A_318 : memref<512x128xi32, #tpu.memory_space<hbm>>)
    %dma_wait3A_319 = arith.constant 0 : i32
    %dma_wait3A_320 = tpu.memref_slice %arg6[%add3A_191, %dma_wait3A_319] : memref<524288x128xi32, #tpu.memory_space<hbm>> -> memref<512x128xi32, #tpu.memory_space<hbm>>
    %dma_wait3A_321 = arith.constant 0 : i32
    %dma_wait3A_322 = tpu.memref_slice %arg6[%add3A_191, %dma_wait3A_321] : memref<524288x128xi32, #tpu.memory_space<hbm>> -> memref<512x128xi32, #tpu.memory_space<hbm>>
    tpu.wait_dma2 semaphore(%arg11 : memref<!tpu.dma_semaphore, #tpu.memory_space<semaphore_mem>>) src(%arg7 : memref<512x128xi32, #tpu.memory_space<vmem>>) dst(%dma_wait3A_322 : memref<512x128xi32, #tpu.memory_space<hbm>>)
    "tpu.region"() ({
      %run_scoped3A = tpu.sem_alloc : memref<!tpu.dma_semaphore, #tpu.memory_space<semaphore_mem>>
      %dma_start3A_335 = tpu.memref_slice %arg4[%mul3A_4] : memref<8192xi32, #tpu.memory_space<hbm>> -> memref<256xi32, #tpu.memory_space<hbm>>
      %dma_start3A_336 = tpu.memref_slice %arg4[%mul3A_4] : memref<8192xi32, #tpu.memory_space<hbm>> -> memref<256xi32, #tpu.memory_space<hbm>>
      tpu.enqueue_dma source(%dma_start3A_336 : memref<256xi32, #tpu.memory_space<hbm>>) target(%arg8 : memref<256xi32, #tpu.memory_space<vmem>>) target_semaphore(%run_scoped3A : memref<!tpu.dma_semaphore, #tpu.memory_space<semaphore_mem>>)
      %dma_wait3A_337 = tpu.memref_slice %arg4[%mul3A_4] : memref<8192xi32, #tpu.memory_space<hbm>> -> memref<256xi32, #tpu.memory_space<hbm>>
      %dma_wait3A_338 = tpu.memref_slice %arg4[%mul3A_4] : memref<8192xi32, #tpu.memory_space<hbm>> -> memref<256xi32, #tpu.memory_space<hbm>>
      tpu.wait_dma2 semaphore(%run_scoped3A : memref<!tpu.dma_semaphore, #tpu.memory_space<semaphore_mem>>) src(%dma_wait3A_338 : memref<256xi32, #tpu.memory_space<hbm>>) dst(%arg8 : memref<256xi32, #tpu.memory_space<vmem>>)
      tpu.yield
    }) : () -> ()
    "tpu.region"() ({
      %run_scoped3A = tpu.sem_alloc : memref<!tpu.dma_semaphore, #tpu.memory_space<semaphore_mem>>
      %dma_start3A_335 = tpu.memref_slice %arg5[%mul3A_4] : memref<8192xi32, #tpu.memory_space<hbm>> -> memref<256xi32, #tpu.memory_space<hbm>>
      %dma_start3A_336 = tpu.memref_slice %arg5[%mul3A_4] : memref<8192xi32, #tpu.memory_space<hbm>> -> memref<256xi32, #tpu.memory_space<hbm>>
      tpu.enqueue_dma source(%dma_start3A_336 : memref<256xi32, #tpu.memory_space<hbm>>) target(%arg9 : memref<256xi32, #tpu.memory_space<vmem>>) target_semaphore(%run_scoped3A : memref<!tpu.dma_semaphore, #tpu.memory_space<semaphore_mem>>)
      %dma_wait3A_337 = tpu.memref_slice %arg5[%mul3A_4] : memref<8192xi32, #tpu.memory_space<hbm>> -> memref<256xi32, #tpu.memory_space<hbm>>
      %dma_wait3A_338 = tpu.memref_slice %arg5[%mul3A_4] : memref<8192xi32, #tpu.memory_space<hbm>> -> memref<256xi32, #tpu.memory_space<hbm>>
      tpu.wait_dma2 semaphore(%run_scoped3A : memref<!tpu.dma_semaphore, #tpu.memory_space<semaphore_mem>>) src(%dma_wait3A_338 : memref<256xi32, #tpu.memory_space<hbm>>) dst(%arg9 : memref<256xi32, #tpu.memory_space<vmem>>)
      tpu.yield
    }) : () -> ()
    %dma_start3A_323 = arith.constant 0 : i32
    %dma_start3A_324 = arith.constant 0 : i32
    %dma_start3A_325 = tpu.memref_slice %arg3[%dma_start3A_323, %dma_start3A_324] : memref<136x128xi32, #tpu.memory_space<hbm>> -> memref<136x128xi32, #tpu.memory_space<hbm>>
    tpu.enqueue_indirect_dma source(%dma_start3A_325 : memref<136x128xi32, #tpu.memory_space<hbm>>) target(%arg10 : memref<256x128xi32, #tpu.memory_space<vmem>>) offsets(%arg9 : memref<256xi32, #tpu.memory_space<vmem>>) semaphore(%arg11 : memref<!tpu.dma_semaphore, #tpu.memory_space<semaphore_mem>>)
    %dma_wait3A_326 = arith.constant 0 : i32
    %dma_wait3A_327 = arith.constant 0 : i32
    %dma_wait3A_328 = tpu.memref_slice %arg3[%dma_wait3A_326, %dma_wait3A_327] : memref<136x128xi32, #tpu.memory_space<hbm>> -> memref<136x128xi32, #tpu.memory_space<hbm>>
    tpu.wait_indirect_dma semaphore(%arg11 : memref<!tpu.dma_semaphore, #tpu.memory_space<semaphore_mem>>) src(%dma_wait3A_328 : memref<136x128xi32, #tpu.memory_space<hbm>>) dst(%arg10 : memref<256x128xi32, #tpu.memory_space<vmem>>)
    %dma_start3A_329 = arith.constant 0 : i32
    %dma_start3A_330 = arith.constant 0 : i32
    %dma_start3A_331 = tpu.memref_slice %arg6[%dma_start3A_329, %dma_start3A_330] : memref<524288x128xi32, #tpu.memory_space<hbm>> -> memref<524288x128xi32, #tpu.memory_space<hbm>>
    tpu.enqueue_indirect_dma source(%arg10 : memref<256x128xi32, #tpu.memory_space<vmem>>) target(%dma_start3A_331 : memref<524288x128xi32, #tpu.memory_space<hbm>>) offsets(%arg8 : memref<256xi32, #tpu.memory_space<vmem>>) semaphore(%arg11 : memref<!tpu.dma_semaphore, #tpu.memory_space<semaphore_mem>>)
    %dma_wait3A_332 = arith.constant 0 : i32
    %dma_wait3A_333 = arith.constant 0 : i32
    %dma_wait3A_334 = tpu.memref_slice %arg6[%dma_wait3A_332, %dma_wait3A_333] : memref<524288x128xi32, #tpu.memory_space<hbm>> -> memref<524288x128xi32, #tpu.memory_space<hbm>>
    tpu.wait_indirect_dma semaphore(%arg11 : memref<!tpu.dma_semaphore, #tpu.memory_space<semaphore_mem>>) src(%arg10 : memref<256x128xi32, #tpu.memory_space<vmem>>) dst(%dma_wait3A_334 : memref<524288x128xi32, #tpu.memory_space<hbm>>)
    return
  }
}

module attributes {stable_mosaic.version = 14 : i64} {
  func.func @body(%arg0: i32, %arg1: memref<256x1024xf32, #tpu.memory_space<vmem>>, %arg2: memref<1024x64xf32, #tpu.memory_space<vmem>>, %arg3: memref<256x64x128xf32, #tpu.memory_space<vmem>>, %arg4: memref<256x1xi32, #tpu.memory_space<vmem>>, %arg5: memref<256x1xi32, #tpu.memory_space<vmem>>, %arg6: memref<1x1xf32, #tpu.memory_space<vmem>>, %arg7: memref<1x64xf32, #tpu.memory_space<vmem>>, %arg8: memref<1x64xf32, #tpu.memory_space<vmem>>, %arg9: memref<1x64xf32, #tpu.memory_space<vmem>>) attributes {dimension_semantics = [#tpu.dimension_semantics<arbitrary>], iteration_bounds = array<i64: 32>, scalar_prefetch = 0 : i64, scratch_operands = 3 : i64, tpu.core_type = #tpu.core_type<tc>, window_params = [{transform_indices = @transform_0, window_bounds = array<i64: 256, 1024>}, {pipeline_mode = #tpu.pipeline_mode<synchronous>, transform_indices = @transform_1, window_bounds = array<i64: 1024, 64>}, {transform_indices = @transform_2, window_bounds = array<i64: 256, 64, 128>}, {transform_indices = @transform_3, window_bounds = array<i64: 256, 1>}, {transform_indices = @transform_4, window_bounds = array<i64: 256, 1>}, {pipeline_mode = #tpu.pipeline_mode<synchronous>, transform_indices = @transform_5, window_bounds = array<i64: 1, 1>}]} {
    %eq3A = arith.constant 0 : i32
    %eq3A_0 = arith.cmpi eq, %arg0, %eq3A : i32
    %convert_element_type3A = arith.extui %eq3A_0 : i1 to i32
    %cond3A = arith.constant 0 : i32
    %cond3A_1 = arith.cmpi ne, %convert_element_type3A, %cond3A : i32
    scf.if %cond3A_1 {
      %broadcast_in_dim3A_105 = arith.constant 0.000000e+00 : f32
      %broadcast_in_dim3A_106 = vector.broadcast %broadcast_in_dim3A_105 : f32 to vector<1x64xf32>
      %swap3A_107 = arith.constant 0 : index
      %swap3A_108 = arith.constant 0 : index
      %swap3A_109 = vector.load %arg7[%swap3A_107, %swap3A_108] : memref<1x64xf32, #tpu.memory_space<vmem>>, vector<1x64xf32>
      tpu.vector_store %arg7[%swap3A_107, %swap3A_108], %broadcast_in_dim3A_106 {strides = array<i32>} : memref<1x64xf32, #tpu.memory_space<vmem>>, vector<1x64xf32>,
      %broadcast_in_dim3A_110 = arith.constant 0.000000e+00 : f32
      %broadcast_in_dim3A_111 = vector.broadcast %broadcast_in_dim3A_110 : f32 to vector<1x64xf32>
      %swap3A_112 = arith.constant 0 : index
      %swap3A_113 = arith.constant 0 : index
      %swap3A_114 = vector.load %arg8[%swap3A_112, %swap3A_113] : memref<1x64xf32, #tpu.memory_space<vmem>>, vector<1x64xf32>
      tpu.vector_store %arg8[%swap3A_112, %swap3A_113], %broadcast_in_dim3A_111 {strides = array<i32>} : memref<1x64xf32, #tpu.memory_space<vmem>>, vector<1x64xf32>,
      %broadcast_in_dim3A_115 = arith.constant 0.000000e+00 : f32
      %broadcast_in_dim3A_116 = vector.broadcast %broadcast_in_dim3A_115 : f32 to vector<1x64xf32>
      %swap3A_117 = arith.constant 0 : index
      %swap3A_118 = arith.constant 0 : index
      %swap3A_119 = vector.load %arg9[%swap3A_117, %swap3A_118] : memref<1x64xf32, #tpu.memory_space<vmem>>, vector<1x64xf32>
      tpu.vector_store %arg9[%swap3A_117, %swap3A_118], %broadcast_in_dim3A_116 {strides = array<i32>} : memref<1x64xf32, #tpu.memory_space<vmem>>, vector<1x64xf32>,
    } else {
    }
    %get3A = arith.constant 0 : index
    %get3A_2 = arith.constant 0 : index
    %get3A_3 = vector.load %arg1[%get3A, %get3A_2] : memref<256x1024xf32, #tpu.memory_space<vmem>>, vector<256x1024xf32>
    %get3A_4 = arith.constant 0 : index
    %get3A_5 = arith.constant 0 : index
    %get3A_6 = vector.load %arg2[%get3A_4, %get3A_5] : memref<1024x64xf32, #tpu.memory_space<vmem>>, vector<1024x64xf32>
    %dot_general3A = arith.constant dense<0.000000e+00> : vector<256x64xf32>
    %dot_general3A_7 = tpu.matmul %get3A_3, %get3A_6, %dot_general3A {dimension_numbers = #tpu.dot_dimension_numbers<[1], [0], [0], [1], [0, 0, 1, 1], [], []>, transpose_lhs_hint = false} : vector<256x1024xf32>, vector<1024x64xf32>, vector<256x64xf32> -> vector<256x64xf32>
    %reduce_max3A = arith.constant dense<0xFF800000> : vector<256xf32>
    %reduce_max3A_8 = vector.multi_reduction <maximumf>, %dot_general3A_7, %reduce_max3A [1] : vector<256x64xf32> to vector<256xf32>
    %broadcast_in_dim3A = vector.shape_cast %reduce_max3A_8 : vector<256xf32> to vector<256x1xf32>
    %sub3A = vector.broadcast %broadcast_in_dim3A : vector<256x1xf32> to vector<256x64xf32>
    %sub3A_9 = arith.subf %dot_general3A_7, %sub3A : vector<256x64xf32>
    %exp3A = math.exp %sub3A_9 : vector<256x64xf32>
    %reduce_sum3A = arith.constant dense<0.000000e+00> : vector<256xf32>
    %reduce_sum3A_10 = vector.multi_reduction <add>, %exp3A, %reduce_sum3A [1] : vector<256x64xf32> to vector<256xf32>
    %broadcast_in_dim3A_11 = vector.shape_cast %reduce_sum3A_10 : vector<256xf32> to vector<256x1xf32>
    %div3A = vector.broadcast %broadcast_in_dim3A_11 : vector<256x1xf32> to vector<256x64xf32>
    %div3A_12 = arith.divf %exp3A, %div3A : vector<256x64xf32>
    %reduce_max3A_13 = arith.constant dense<0xFF800000> : vector<256xf32>
    %reduce_max3A_14 = vector.multi_reduction <maximumf>, %div3A_12, %reduce_max3A_13 [1] : vector<256x64xf32> to vector<256xf32>
    %broadcast_in_dim3A_15 = vector.shape_cast %reduce_max3A_14 : vector<256xf32> to vector<256x1xf32>
    %iota3A = tpu.iota {dimensions = array<i32: 1>} : vector<256x64xi32>
    %eq3A_16 = vector.broadcast %broadcast_in_dim3A_15 : vector<256x1xf32> to vector<256x64xf32>
    %eq3A_17 = arith.cmpf oeq, %div3A_12, %eq3A_16 : vector<256x64xf32>
    %jit3A = arith.constant 64 : i32
    %broadcast_in_dim3A_18 = vector.broadcast %jit3A : i32 to vector<256x64xi32>
    %select_n3A = arith.select %eq3A_17, %iota3A, %broadcast_in_dim3A_18 : vector<256x64xi1>, vector<256x64xi32>
    %reduce_min3A = arith.constant dense<2147483647> : vector<256xi32>
    %reduce_min3A_19 = vector.multi_reduction <minsi>, %select_n3A, %reduce_min3A [1] : vector<256x64xi32> to vector<256xi32>
    %broadcast_in_dim3A_20 = vector.shape_cast %reduce_min3A_19 : vector<256xi32> to vector<256x1xi32>
    %eq3A_21 = vector.broadcast %broadcast_in_dim3A_20 : vector<256x1xi32> to vector<256x64xi32>
    %eq3A_22 = arith.cmpi eq, %iota3A, %eq3A_21 : vector<256x64xi32>
    %convert_element_type3A_23 = arith.extui %eq3A_22 : vector<256x64xi1> to vector<256x64xi32>
    %convert_element_type3A_24 = arith.sitofp %convert_element_type3A_23 : vector<256x64xi32> to vector<256x64xf32>
    %iota3A_25 = tpu.iota {dimensions = array<i32: 0>} : vector<256x256xi32>
    %iota3A_26 = tpu.iota {dimensions = array<i32: 1>} : vector<256x256xi32>
    %le3A = arith.cmpi sle, %iota3A_26, %iota3A_25 : vector<256x256xi32>
    %convert_element_type3A_27 = arith.extui %le3A : vector<256x256xi1> to vector<256x256xi32>
    %convert_element_type3A_28 = arith.sitofp %convert_element_type3A_27 : vector<256x256xi32> to vector<256x256xf32>
    %dot_general3A_29 = arith.constant dense<0.000000e+00> : vector<256x64xf32>
    %dot_general3A_30 = tpu.matmul %convert_element_type3A_28, %convert_element_type3A_24, %dot_general3A_29 {dimension_numbers = #tpu.dot_dimension_numbers<[1], [0], [0], [1], [0, 0, 1, 1], [], []>, transpose_lhs_hint = false} : vector<256x256xf32>, vector<256x64xf32>, vector<256x64xf32> -> vector<256x64xf32>
    %get3A_31 = arith.constant 0 : index
    %get3A_32 = arith.constant 0 : index
    %get3A_33 = vector.load %arg7[%get3A_31, %get3A_32] : memref<1x64xf32, #tpu.memory_space<vmem>>, vector<1x64xf32>
    %sub3A_34 = arith.constant 1.000000e+00 : f32
    %sub3A_35 = vector.broadcast %sub3A_34 : f32 to vector<256x64xf32>
    %sub3A_36 = arith.subf %dot_general3A_30, %sub3A_35 : vector<256x64xf32>
    %add3A = vector.broadcast %get3A_33 : vector<1x64xf32> to vector<256x64xf32>
    %add3A_37 = arith.addf %sub3A_36, %add3A : vector<256x64xf32>
    %slice3A = vector.extract_strided_slice %dot_general3A_30 {offsets = [255, 0], sizes = [1, 64], strides = [1, 1]} : vector<256x64xf32> to vector<1x64xf32>
    %add3A_38 = arith.addf %get3A_33, %slice3A : vector<1x64xf32>
    %swap3A = arith.constant 0 : index
    %swap3A_39 = arith.constant 0 : index
    %swap3A_40 = vector.load %arg7[%swap3A, %swap3A_39] : memref<1x64xf32, #tpu.memory_space<vmem>>, vector<1x64xf32>
    tpu.vector_store %arg7[%swap3A, %swap3A_39], %add3A_38 {strides = array<i32>} : memref<1x64xf32, #tpu.memory_space<vmem>>, vector<1x64xf32>,
    %get3A_41 = arith.constant 0 : index
    %get3A_42 = arith.constant 0 : index
    %get3A_43 = vector.load %arg8[%get3A_41, %get3A_42] : memref<1x64xf32, #tpu.memory_space<vmem>>, vector<1x64xf32>
    %reduce_sum3A_44 = arith.constant dense<0.000000e+00> : vector<64xf32>
    %reduce_sum3A_45 = vector.multi_reduction <add>, %div3A_12, %reduce_sum3A_44 [0] : vector<256x64xf32> to vector<64xf32>
    %broadcast_in_dim3A_46 = vector.shape_cast %reduce_sum3A_45 : vector<64xf32> to vector<1x64xf32>
    %add3A_47 = arith.addf %get3A_43, %broadcast_in_dim3A_46 : vector<1x64xf32>
    %swap3A_48 = arith.constant 0 : index
    %swap3A_49 = arith.constant 0 : index
    %swap3A_50 = vector.load %arg8[%swap3A_48, %swap3A_49] : memref<1x64xf32, #tpu.memory_space<vmem>>, vector<1x64xf32>
    tpu.vector_store %arg8[%swap3A_48, %swap3A_49], %add3A_47 {strides = array<i32>} : memref<1x64xf32, #tpu.memory_space<vmem>>, vector<1x64xf32>,
    %get3A_51 = arith.constant 0 : index
    %get3A_52 = arith.constant 0 : index
    %get3A_53 = vector.load %arg9[%get3A_51, %get3A_52] : memref<1x64xf32, #tpu.memory_space<vmem>>, vector<1x64xf32>
    %slice3A_54 = vector.extract_strided_slice %dot_general3A_30 {offsets = [255, 0], sizes = [1, 64], strides = [1, 1]} : vector<256x64xf32> to vector<1x64xf32>
    %add3A_55 = arith.addf %get3A_53, %slice3A_54 : vector<1x64xf32>
    %swap3A_56 = arith.constant 0 : index
    %swap3A_57 = arith.constant 0 : index
    %swap3A_58 = vector.load %arg9[%swap3A_56, %swap3A_57] : memref<1x64xf32, #tpu.memory_space<vmem>>, vector<1x64xf32>
    tpu.vector_store %arg9[%swap3A_56, %swap3A_57], %add3A_55 {strides = array<i32>} : memref<1x64xf32, #tpu.memory_space<vmem>>, vector<1x64xf32>,
    %mul3A = arith.mulf %add3A_37, %convert_element_type3A_24 : vector<256x64xf32>
    %reduce_sum3A_59 = arith.constant dense<0.000000e+00> : vector<256xf32>
    %reduce_sum3A_60 = vector.multi_reduction <add>, %mul3A, %reduce_sum3A_59 [1] : vector<256x64xf32> to vector<256xf32>
    %broadcast_in_dim3A_61 = vector.shape_cast %reduce_sum3A_60 : vector<256xf32> to vector<256x1xf32>
    %convert_element_type3A_62 = arith.fptosi %broadcast_in_dim3A_61 : vector<256x1xf32> to vector<256x1xi32>
    %lt3A = arith.constant 128 : i32
    %lt3A_63 = vector.broadcast %lt3A : i32 to vector<256x1xi32>
    %lt3A_64 = arith.cmpi slt, %convert_element_type3A_62, %lt3A_63 : vector<256x1xi32>
    %iota3A_65 = tpu.iota {dimensions = array<i32: 0>} : vector<256x1xi32>
    %mul3A_66 = arith.constant 256 : i32
    %mul3A_67 = arith.muli %arg0, %mul3A_66 : i32
    %add3A_68 = vector.broadcast %mul3A_67 : i32 to vector<256x1xi32>
    %add3A_69 = arith.addi %iota3A_65, %add3A_68 : vector<256x1xi32>
    %mul3A_70 = arith.constant 64 : i32
    %mul3A_71 = vector.broadcast %mul3A_70 : i32 to vector<256x1xi32>
    %mul3A_72 = arith.muli %add3A_69, %mul3A_71 : vector<256x1xi32>
    %add3A_73 = arith.addi %mul3A_72, %broadcast_in_dim3A_20 : vector<256x1xi32>
    %swap3A_74 = arith.constant 0 : index
    %swap3A_75 = arith.constant 0 : index
    %swap3A_76 = vector.load %arg4[%swap3A_74, %swap3A_75] : memref<256x1xi32, #tpu.memory_space<vmem>>, vector<256x1xi32>
    tpu.vector_store %arg4[%swap3A_74, %swap3A_75], %add3A_73 {strides = array<i32>} : memref<256x1xi32, #tpu.memory_space<vmem>>, vector<256x1xi32>,
    %jit3A_77 = arith.constant 128 : i32
    %broadcast_in_dim3A_78 = vector.broadcast %jit3A_77 : i32 to vector<256x1xi32>
    %select_n3A_79 = arith.select %lt3A_64, %convert_element_type3A_62, %broadcast_in_dim3A_78 : vector<256x1xi1>, vector<256x1xi32>
    %swap3A_80 = arith.constant 0 : index
    %swap3A_81 = arith.constant 0 : index
    %swap3A_82 = vector.load %arg5[%swap3A_80, %swap3A_81] : memref<256x1xi32, #tpu.memory_space<vmem>>, vector<256x1xi32>
    tpu.vector_store %arg5[%swap3A_80, %swap3A_81], %select_n3A_79 {strides = array<i32>} : memref<256x1xi32, #tpu.memory_space<vmem>>, vector<256x1xi32>,
    %iota3A_83 = tpu.iota {dimensions = array<i32: 1>} : vector<256x64x128xi32>
    %iota3A_84 = tpu.iota {dimensions = array<i32: 2>} : vector<256x64x128xi32>
    %reshape3A = vector.shape_cast %broadcast_in_dim3A_20 : vector<256x1xi32> to vector<256x1x1xi32>
    %reshape3A_85 = vector.shape_cast %convert_element_type3A_62 : vector<256x1xi32> to vector<256x1x1xi32>
    %reshape3A_86 = vector.shape_cast %broadcast_in_dim3A_15 : vector<256x1xf32> to vector<256x1x1xf32>
    %eq3A_87 = vector.broadcast %reshape3A : vector<256x1x1xi32> to vector<256x64x128xi32>
    %eq3A_88 = arith.cmpi eq, %iota3A_83, %eq3A_87 : vector<256x64x128xi32>
    %eq3A_89 = vector.broadcast %reshape3A_85 : vector<256x1x1xi32> to vector<256x64x128xi32>
    %eq3A_90 = arith.cmpi eq, %iota3A_84, %eq3A_89 : vector<256x64x128xi32>
    %and3A = arith.andi %eq3A_88, %eq3A_90 : vector<256x64x128xi1>
    %jit3A_91 = arith.constant 0.000000e+00 : f32
    %broadcast_in_dim3A_92 = vector.shape_cast %reshape3A_86 : vector<256x1x1xf32> to vector<256x1x1xf32>
    %broadcast_in_dim3A_93 = vector.broadcast %broadcast_in_dim3A_92 : vector<256x1x1xf32> to vector<256x64x128xf32>
    %broadcast_in_dim3A_94 = vector.broadcast %jit3A_91 : f32 to vector<256x64x128xf32>
    %select_n3A_95 = arith.select %and3A, %broadcast_in_dim3A_93, %broadcast_in_dim3A_94 : vector<256x64x128xi1>, vector<256x64x128xf32>
    %swap3A_96 = arith.constant 0 : index
    %swap3A_97 = arith.constant 0 : index
    %swap3A_98 = arith.constant 0 : index
    %swap3A_99 = vector.load %arg3[%swap3A_96, %swap3A_97, %swap3A_98] : memref<256x64x128xf32, #tpu.memory_space<vmem>>, vector<256x64x128xf32>
    tpu.vector_store %arg3[%swap3A_96, %swap3A_97, %swap3A_98], %select_n3A_95 {strides = array<i32>} : memref<256x64x128xf32, #tpu.memory_space<vmem>>, vector<256x64x128xf32>,
    %eq3A_100 = arith.constant 31 : i32
    %eq3A_101 = arith.cmpi eq, %arg0, %eq3A_100 : i32
    %convert_element_type3A_102 = arith.extui %eq3A_101 : i1 to i32
    %cond3A_103 = arith.constant 0 : i32
    %cond3A_104 = arith.cmpi ne, %convert_element_type3A_102, %cond3A_103 : i32
    scf.if %cond3A_104 {
      %get3A_105 = arith.constant 0 : index
      %get3A_106 = arith.constant 0 : index
      %get3A_107 = vector.load %arg8[%get3A_105, %get3A_106] : memref<1x64xf32, #tpu.memory_space<vmem>>, vector<1x64xf32>
      %div3A_108 = arith.constant 8.192000e+03 : f32
      %div3A_109 = vector.broadcast %div3A_108 : f32 to vector<1x64xf32>
      %div3A_110 = arith.divf %get3A_107, %div3A_109 : vector<1x64xf32>
      %get3A_111 = arith.constant 0 : index
      %get3A_112 = arith.constant 0 : index
      %get3A_113 = vector.load %arg9[%get3A_111, %get3A_112] : memref<1x64xf32, #tpu.memory_space<vmem>>, vector<1x64xf32>
      %div3A_114 = arith.constant 8.192000e+03 : f32
      %div3A_115 = vector.broadcast %div3A_114 : f32 to vector<1x64xf32>
      %div3A_116 = arith.divf %get3A_113, %div3A_115 : vector<1x64xf32>
      %mul3A_117 = arith.mulf %div3A_110, %div3A_116 : vector<1x64xf32>
      %reduce_sum3A_118 = vector.shape_cast %mul3A_117 : vector<1x64xf32> to vector<1x1x64xf32>
      %reduce_sum3A_119 = arith.constant dense<0.000000e+00> : vector<1xf32>
      %reduce_sum3A_120 = vector.multi_reduction <add>, %reduce_sum3A_118, %reduce_sum3A_119 [1, 2] : vector<1x1x64xf32> to vector<1xf32>
      %reduce_sum3A_121 = vector.shape_cast %reduce_sum3A_120 : vector<1xf32> to vector<1x1x1xf32>
      %reduce_sum3A_122 = vector.extract %reduce_sum3A_121[0, 0, 0] : f32 from vector<1x1x1xf32>
      %reshape3A_123 = vector.broadcast %reduce_sum3A_122 : f32 to vector<1x1xf32>
      %mul3A_124 = arith.constant 6.400000e+01 : f32
      %mul3A_125 = vector.broadcast %mul3A_124 : f32 to vector<1x1xf32>
      %mul3A_126 = arith.mulf %reshape3A_123, %mul3A_125 : vector<1x1xf32>
      %swap3A_127 = arith.constant 0 : index
      %swap3A_128 = arith.constant 0 : index
      %swap3A_129 = vector.load %arg6[%swap3A_127, %swap3A_128] : memref<1x1xf32, #tpu.memory_space<vmem>>, vector<1x1xf32>
      tpu.vector_store %arg6[%swap3A_127, %swap3A_128], %mul3A_126 {strides = array<i32>} : memref<1x1xf32, #tpu.memory_space<vmem>>, vector<1x1xf32>,
    } else {
    }
    return
  }
  func.func @transform_0(%arg0: i32) -> (i32, i32) {
    %c0_i32 = arith.constant 0 : i32
    %c0_i32_0 = arith.constant 0 : i32
    return %arg0, %c0_i32 : i32, i32
  }
  func.func @transform_1(%arg0: i32) -> (i32, i32) {
    %c0_i32 = arith.constant 0 : i32
    %c0_i32_0 = arith.constant 0 : i32
    %c0_i32_1 = arith.constant 0 : i32
    return %c0_i32, %c0_i32_0 : i32, i32
  }
  func.func @transform_2(%arg0: i32) -> (i32, i32, i32) {
    %c0_i32 = arith.constant 0 : i32
    %c0_i32_0 = arith.constant 0 : i32
    %c0_i32_1 = arith.constant 0 : i32
    return %arg0, %c0_i32, %c0_i32_0 : i32, i32, i32
  }
  func.func @transform_3(%arg0: i32) -> (i32, i32) {
    %c0_i32 = arith.constant 0 : i32
    %c0_i32_0 = arith.constant 0 : i32
    return %arg0, %c0_i32 : i32, i32
  }
  func.func @transform_4(%arg0: i32) -> (i32, i32) {
    %c0_i32 = arith.constant 0 : i32
    %c0_i32_0 = arith.constant 0 : i32
    return %arg0, %c0_i32 : i32, i32
  }
  func.func @transform_5(%arg0: i32) -> (i32, i32) {
    %c0_i32 = arith.constant 0 : i32
    %c0_i32_0 = arith.constant 0 : i32
    %c0_i32_1 = arith.constant 0 : i32
    return %c0_i32, %c0_i32_0 : i32, i32
  }
}

</mosaic_0001>

<sc_bundles>
// kernel: kernel.4.cloned.1.call-start
scs
__scs_entry_jumppad:
0x0: {  	(pc) =	sbr.rel $0x88, $3  }
0x1: {  	(tag) =	ssettag $0x0;
	lr =	simm.s32 $0x1  }
0x2: {  	[smem:$0x3F9F] =	sst lr;
	_ =	strace $0xD0000000  }
0x3: {  	_ = 	snop  }
0x4: {  	_ = 	snop  }
0x5: {  	_ = 	snop  }
0x6: {  	_ = 	snop  }
0x7: {  	_ = 	snop  }
__scs_overlays_trampoline_lowered:
0x8: {  	[smem:$0x3FAE] =	sst s0  }
0x9: {  	[smem:$0x3FAF] =	sst s1  }
0xa: {  	[smem:$0x3FB0] =	sst s2  }
0xb: {  	[smem:$0x3FB1] =	sst s3  }
0xc: {  	[smem:$0x3FB2] =	sst s4  }
0xd: {  	[smem:$0x3FB3] =	sst s5  }
0xe: {  	[smem:$0x3FB4] =	sst s6  }
0xf: {  	[smem:$0x3FB5] =	sst s7  }
0x10: {  	[smem:$0x3FB6] =	sst s8  }
0x11: {  	[smem:$0x3FB7] =	sst s9;
	s0 =	simm.s32 @!p0 $0x0  }
0x12: {  	s1 =	sld [smem:$0x3F9D];
	s0 =	simm.s32 @p0 $0x1  }
0x13: {  	[smem:$0x3FB8] =	sst s0;
	s0 =	simm.s32 @!p1 $0x0  }
0x14: {  	s2 =	sld [smem:$0x3F9C];
	s0 =	simm.s32 @p1 $0x1  }
0x15: {  	[smem:$0x3FB9] =	sst s0;
	s0 =	simm.s32 @!p2 $0x0  }
0x16: {  	s3 =	sld [smem:$0x3FDB];
	s0 =	simm.s32 @p2 $0x1  }
0x17: {  	s4 =	simm.s32 $0x1BF5;
	[smem:$0x3FBB] =	sst s0  }
0x18: {  	s0 =	sld [smem:$0x3F9E];
	_ =	swait.ge [sflag:s4], $0x0  }
0x19: {  	s7 =	sld [smem:$0x3F9F]  }
0x1a: {  	s8 =	sadd.s32 $0xFFFFE003, lr  }
0x1b: {  	s9 =	sadd.s32 $0xFFFFFEF7, lr;
	s5 =	simm.s32 $0xFFFFFFFF;
	p2 =	slt.u32 s8, $0xFFFFF086  }
0x1c: {  	p1 =	slt.u32 s9, $0xF7A;
	s5 =	simm.s32 @!p2 $0x0  }
0x1d: {  	s5 =	simm.s32 @p1 $0x1;
	p0 =	seq.s32 s7, s2  }
0x1e: {  	s7 =	smul.u32 @!p0 $0xF7A, s2;
	p2 =	seq.s32 @!p0 s5, $0x0  }
0x1f: {  	s9 =	smul.u32 $0xF7A, s1;
	s8 =	simm.s32 @!p0 $0x1BF5;
	p2 =	por !p2, p0  }
0x20: {  	[sflag:s8] =	ssyncset.s32 @!p0 $0xFFFFF086;
	s6 =	sadd.s32 @!p0 s3, s7;
	s7 =	simm.s32 @!p0 $0x108  }
0x21: {  	s3 =	sadd.s32 s3, s9;
	s6 =	sadd.s32 @!p0 $0x88, s6;
	s7 =	simm.s32 @p2 $0x1082  }
0x22: {  	[simem:s7], [sflag:s8] =	dma.local @!p0 [hbm:s6], $0xF7A  }
0x23: {  	s9 =	sor.u32 $0xD0000000, s2;
	s6 =	simm.s32 $0x108;
	_ =	swait.ge @!p0 [sflag:s8], $0x0  }
0x24: {  	s3 =	sadd.s32 $0x88, s3;
	s6 =	simm.s32 @!p1 $0x1082;
	[sflag:s4] =	ssyncset.s32 $0xFFFFF086  }
0x25: {  	[simem:s6], [sflag:s4] =	dma.local [hbm:s3], $0xF7A  }
0x26: {  	[smem:$0x3F9F] =	sst s1;
	(tag) =	ssettag s2;
	_ =	strace s9  }
0x27: {  	s1 =	sld [smem:$0x3FAF]  }
0x28: {  	s2 =	sld [smem:$0x3FB0]  }
0x29: {  	s4 =	sld [smem:$0x3FB2]  }
0x2a: {  	p0 =	seq.s32 s5, $0x0;
	s5 =	sld [smem:$0x3FB3]  }
0x2b: {  	s6 =	sld [smem:$0x3FB4]  }
0x2c: {  	s7 =	sld [smem:$0x3FB5]  }
0x2d: {  	s3 =	simm.s32 $0x108;
	s8 =	sld [smem:$0x3FB6]  }
0x2e: {  	s3 =	simm.s32 @!p0 $0x1082;
	s9 =	sld [smem:$0x3FB7]  }
0x2f: {  	lr =	sadd.s32 s0, s3;
	s0 =	sld [smem:$0x3FAE]  }
0x30: {  	s3 =	sld [smem:$0x3FB1]  }
0x31: {  	[smem:$0x3FBA] =	sst s10  }
0x32: {  	s10 =	sld [smem:$0x3FB8];
	_ =	sdelay $0x3  }
0x33: {  	p0 =	seq.s32 s10, $0x1;
	s10 =	sld [smem:$0x3FBA];
	_ =	sdelay $0x3  }
0x34: {  	[smem:$0x3FBA] =	sst s10  }
0x35: {  	s10 =	sld [smem:$0x3FB9];
	_ =	sdelay $0x3  }
0x36: {  	p1 =	seq.s32 s10, $0x1;
	s10 =	sld [smem:$0x3FBA];
	_ =	sdelay $0x3  }
0x37: {  	[smem:$0x3FBA] =	sst s10  }
0x38: {  	s10 =	sld [smem:$0x3FBB]  }
0x39: {  	_ = 	snop;
	(pc) =	sbr.ind lr, $3  }
0x3a: {  	_ = 	snop  }
0x3b: {  	_ = 	snop  }
0x3c: {  	p2 =	seq.s32 s10, $0x1;
	s10 =	sld [smem:$0x3FBA]  }
0x3d: {  	_ =	shalt  }
0x3e: {  	_ =	shalt  }
0x3f: {  	_ =	shalt  }
0x40: {  	_ =	shalt  }
0x41: {  	_ =	shalt  }
0x42: {  	_ =	shalt  }
0x43: {  	_ =	shalt  }
0x44: {  	_ =	shalt  }
0x45: {  	_ =	shalt  }
0x46: {  	_ =	shalt  }
0x47: {  	_ =	shalt  }
0x48: {  	_ =	shalt  }
0x49: {  	_ =	shalt  }
0x4a: {  	_ =	shalt  }
0x4b: {  	_ =	shalt  }
0x4c: {  	_ =	shalt  }
0x4d: {  	_ =	shalt  }
0x4e: {  	_ =	shalt  }
0x4f: {  	_ =	shalt  }
0x50: {  	_ =	shalt  }
0x51: {  	_ =	shalt  }
0x52: {  	_ =	shalt  }
0x53: {  	_ =	shalt  }
0x54: {  	_ =	shalt  }
0x55: {  	_ =	shalt  }
0x56: {  	_ =	shalt  }
0x57: {  	_ =	shalt  }
0x58: {  	_ =	shalt  }
0x59: {  	_ =	shalt  }
0x5a: {  	_ =	shalt  }
0x5b: {  	_ =	shalt  }
0x5c: {  	_ =	shalt  }
0x5d: {  	_ =	shalt  }
0x5e: {  	_ =	shalt  }
0x5f: {  	_ =	shalt  }
0x60: {  	_ =	shalt  }
0x61: {  	_ =	shalt  }
0x62: {  	_ =	shalt  }
0x63: {  	_ =	shalt  }
0x64: {  	_ =	shalt  }
0x65: {  	_ =	shalt  }
0x66: {  	_ =	shalt  }
0x67: {  	_ =	shalt  }
0x68: {  	_ =	shalt  }
0x69: {  	_ =	shalt  }
0x6a: {  	_ =	shalt  }
0x6b: {  	_ =	shalt  }
0x6c: {  	_ =	shalt  }
0x6d: {  	_ =	shalt  }
0x6e: {  	_ =	shalt  }
0x6f: {  	_ =	shalt  }
0x70: {  	_ =	shalt  }
0x71: {  	_ =	shalt  }
0x72: {  	_ =	shalt  }
0x73: {  	_ =	shalt  }
0x74: {  	_ =	shalt  }
0x75: {  	_ =	shalt  }
0x76: {  	_ =	shalt  }
0x77: {  	_ =	shalt  }
0x78: {  	_ =	shalt  }
0x79: {  	_ =	shalt  }
0x7a: {  	_ =	shalt  }
0x7b: {  	_ =	shalt  }
0x7c: {  	_ =	shalt  }
0x7d: {  	_ =	shalt  }
0x7e: {  	_ =	shalt  }
0x7f: {  	_ =	shalt  }
0x80: {  	_ =	shalt  }
0x81: {  	_ =	shalt  }
0x82: {  	_ =	shalt  }
0x83: {  	_ =	shalt  }
0x84: {  	_ =	shalt  }
0x85: {  	_ =	shalt  }
0x86: {  	_ =	shalt  }
0x87: {  	_ =	shalt  }
.Lfunc_end0:
.L_simem_size_0:
called_computation_lowered:
.L_overlay_start_0:
0x88: {  	s2 =	sld [smem:$0x3FD9]  }
0x89: {  	s3 =	sld [smem:$0x3FFE];
	_ =	sdelay $0x1  }
0x8a: {  	s1 =	srdreg.scid  }
0x8b: {  	s0 =	sand.u32 $0x1, s1  }
0x8c: {  	s14 =	sshll.u32 s0, $0xA;
	s2 =	sadd.s32 s3, s2  }
0x8d: {  	s2 =	sadd.s32 s2, s14  }
0x8e: {  	[smem:$0x3FC6] =	sst s2  }
0x8f: {  	_ = 	snop  }
0x90: {  	s2 =	sld [smem:$0x3FD0];
	_ =	sdelay $0x2  }
0x91: {  	s15 =	simm.s32 $0xA;
	s4 =	simm.s32 $0x10  }
0x92: {  	[smem:s4], [sflag:s15] =	dma.local [hbm:s2], $0x1  }
0x93: {  	_ =	swait.eq [sflag:s15], $0x1  }
0x94: {  	[sflag:s15] =	ssyncset.done $0x0  }
0x95: {  	[sflag:s15] =	ssyncadd.s32 $0xFFFFFFFF  }
0x96: {  	s16 =	sld [smem:$0x12];
	(tm) =	ssettm $0x1  }
0x97: {  	s17 =	sld [smem:$0x3FFB];
	_ =	sdelay $0x3  }
0x98: {  	_ =	strace s17  }
0x99: {  	s3 =	sld [smem:$0x3FFC];
	_ =	sdelay $0x3  }
0x9a: {  	_ =	strace s3  }
0x9b: {  	s3 =	sld [smem:$0x3FFD];
	_ =	sdelay $0x3  }
0x9c: {  	_ =	strace s3  }
0x9d: {  	_ =	strace $0x8FFFFFFF  }
0x9e: {  	s18 =	sld [smem:$0x3FDB];
	_ =	sdelay $0x1  }
0x9f: {  	s19 =	simm.s32 $_scs_section_size  }
0xa0: {  	s5 =	simm.s32 $_size__tile_overlayer_lowered;
	s6 =	simm.s32 $_tile_overlayer_lowered  }
0xa1: {  	s22 =	simm.s32 $0x1BFF;
	s21 =	sshll.u32 s6, $0x1;
	s3 =	sadd.s32 s19, s18  }
0xa2: {  	s7 =	simm.s32 $0x0;
	s20 =	sshll.u32 s5, $0x1;
	s5 =	sadd.s32 s21, s3  }
0xa3: {  	[timem:s7], [sflag:s22] =	dma.local [hbm:s5], s20  }
0xa4: {  	_ =	swait.ge [sflag:s22], s20  }
0xa5: {  	s4 =	ssub.s32 $0x0, s20;
	[sflag:s22] =	ssyncset.done $0x0  }
0xa6: {  	[sflag:s22] =	ssyncadd.s32 s4;
	_ =	sdelay $0x1  }
0xa7: {  	s23 =	simm.s32 $0x1B8B  }
0xa8: {  	_ =	swait.ge [sflag:s23], $0x1  }
0xa9: {  	[sflag:s23] =	ssyncset.done $0x0  }
0xaa: {  	s25 =	simm.s32 $0x1B8E;
	s24 =	sld [smem:$0x3FFE];
	[sflag:s23] =	ssyncadd.s32 $0xFFFFFFFF  }
0xab: {  	s26 =	simm.s32 $execute0_lowered;
	[smem:$0x3FD2] =	sst s25  }
0xac: {  	s5 =	sshll.u32 s26, $0x1;
	_ =	strace $0x80000046;
	[dreg:$0x1] =	wrdreg $0xFFFFFFFF  }
0xad: {  	s28 =	simm.s32 $_size_execute0_lowered;
	s3 =	sadd.s32 s3, s5;
	[dreg:$0x0] =	wrdreg $0x0  }
0xae: {  	s5 =	sshll.u32 s28, $0x1;
	[dreg:$0x2] =	wrdreg s3  }
0xaf: {  	[dreg:$0x3] =	wrdreg s5  }
0xb0: {  	[dreg:$0x4] =	wrdreg $0xC0  }
0xb1: {  	_ =	task [dreg:s7], $0x5FFFF  }
0xb2: {  	[dreg:$0x1] =	wrdreg $0xFFFFFFFF  }
0xb3: {  	[dreg:$0x0] =	wrdreg $0x60  }
0xb4: {  	[dreg:$0x2] =	wrdreg s16  }
0xb5: {  	[dreg:$0x3] =	wrdreg s24  }
0xb6: {  	[dreg:$0x4] =	wrdreg $0x9  }
0xb7: {  	_ =	task.clear_ibuf [dreg:s7], $0x5FFFF;
	_ =	strace $0x90000046  }
0xb8: {  	s29 =	simm.s32 $0x9;
	_ =	strace $0x80000048  }
0xb9: {  	_ =	swait.ge [sflag:s29], $0x1  }
0xba: {  	[sflag:s29] =	ssyncadd.s32 $0xFFFFFFFF  }
0xbb: {  	_ =	strace $0x90000048  }
0xbc: {  	_ =	sfence  }
0xbd: {  	s30 =	sld [smem:$0x0];
	_ =	sdelay $0x2  }
0xbe: {  	s31 =	sshll.u32 s1, $0xD;
	s1 =	sshrl.u32 s1, $0x2  }
0xbf: {  	s3 =	sand.u32 $0x4000, s31;
	s1 =	sadd.s32 s1, s30  }
0xc0: {  	s0 =	sor.u32 s3, s0;
	s1 =	sshll.u32 s1, $0x11  }
0xc1: {  	s0 =	sor.u32 s1, s0  }
0xc2: {  	s0 =	sadd.s32 $0x8F2B, s0  }
0xc3: {  	[sflag:s0] =	ssyncadd.remote.s32 $0x1  }
0xc4: {  	_ =	sfence.sel $0xFFFF  }
0xc5: {  	[dreg:$0x0] =	wrdreg $0xFFFFFFFF;
	(pc) =	sbr.abs _section_cstart, $3  }
0xc6: {  	[dreg:$0x1] =	wrdreg $0xFFFFFFFF  }
0xc7: {  	_ =	task.clear_ibuf [dreg:s7], $0x2FFFF;
	_ =	strace $0x9FFFFFFF  }
0xc8: {  	(tm) =	ssettm $0x7FFFFFFF  }
0xc9: {  	_ =	shalt  }
tec
execute0_lowered:
.L_overlay_start_1:
0x0: {  	(tag) =	ssettag $0x1  }
0x1: {  	s0 =	rddreg [dreg:$0x0]  }
0x2: {  	s13 =	srdreg.scid;
	s2 =	stileid.u32  }
0x3: {  	[dreg:$0x3] =	wrdreg s0;
	s0 =	sand.u32 $0x1, s13;
	s1 =	sshll.u32 s2, $0x1  }
0x4: {  	s7 =	rddreg [dreg:$0x1];
	s4 =	simm.s32 $0x0;
	s1 =	sor.u32 s0, s1  }
0x5: {  	p0 =	por $0x0, $0x0;
	s3 =	sadd.s32 $0x1200, s7;
	s5 =	sshll.u32 s1, $0x12  }
0x6: {  	s9 =	simm.s32 $0x2;
	s12 =	simm.s32 $0x10100;
	s13 =	sadd.s32 s3, s5  }
0x7: {  	s8 =	simm.s32 $0x100;
	[smem:$0x7FF] =	sst s4;
	s5 =	sadd.s32 $0x2000, s13  }
0x8: {  	_ =	strace $0x80000047;
	s14 =	sadd.s32 $0x4000, s13;
	[dreg:$0x4] =	wrdreg s5  }
0x9: {  	s10 =	simm.s32 $0x10200;
	s15 =	sadd.s32 $0x6000, s13;
	[dreg:$0x5] =	wrdreg s14  }
0xa: {  	s0 =	ssub.s32 $0x2, s0;
	s16 =	sadd.s32 $0x8000, s13;
	[dreg:$0x6] =	wrdreg s15  }
0xb: {  	s1 =	sshll.u32 s1, $0x5;
	s17 =	sadd.s32 $0xA000, s13;
	[dreg:$0x7] =	wrdreg s16  }
0xc: {  	s6 =	sshrl.u32 s0, $0x1;
	s18 =	sadd.s32 $0xC000, s13;
	[dreg:$0x8] =	wrdreg s17  }
0xd: {  	s1 =	sadd.s32 s1, s7;
	s19 =	sadd.s32 $0xE000, s13;
	[dreg:$0x9] =	wrdreg s18  }
0xe: {  	s0 =	ssub.s32 s0, s6;
	s20 =	sadd.s32 $0x10000, s13;
	[dreg:$0xa] =	wrdreg s19  }
0xf: {  	s6 =	simm.s32 $0x10000;
	s21 =	sadd.s32 $0x12000, s13;
	[dreg:$0xb] =	wrdreg s20  }
0x10: {  	s22 =	sadd.s32 $0x14000, s13;
	s23 =	sadd.s32 $0x16000, s13;
	[dreg:$0xc] =	wrdreg s21  }
0x11: {  	s24 =	sadd.s32 $0x18000, s13;
	s25 =	sadd.s32 $0x1A000, s13;
	[dreg:$0xd] =	wrdreg s22  }
0x12: {  	s26 =	sadd.s32 $0x1C000, s13;
	s28 =	sadd.s32 $0x38000, s13;
	[dreg:$0xe] =	wrdreg s23  }
0x13: {  	s29 =	sadd.s32 $0x3A000, s13;
	s30 =	sadd.s32 $0x3C000, s13;
	[dreg:$0xf] =	wrdreg s24  }
0x14: {  	s31 =	sadd.s32 $0x3E000, s13;
	s0 =	smax.u32 s0, $0x1;
	[dreg:$0x10] =	wrdreg s25  }
0x15: {  	s11 =	sadd.s32 $0xA00, s1;
	s7 =	sadd.s32 $0xE00, s1;
	[dreg:$0x11] =	wrdreg s26  }
0x16: {  	s14 =	sadd.s32 $0x1E000, s13;
	s15 =	sadd.s32 $0x20000, s13;
	p1 =	sne.s32 s0, $0x1  }
.Ltmp0:
0x17: {  	s16 =	sadd.s32 $0x22000, s13;
	s17 =	sadd.s32 $0x24000, s13;
	(pc) =	sbr.rel @!p1 .LBB2_5-.Ltmp0, $4  }
0x18: {  	s18 =	sadd.s32 $0x26000, s13;
	s19 =	sadd.s32 $0x28000, s13;
	s20 =	sadd.s32 $0x2A000, s13  }
0x19: {  	s21 =	sadd.s32 $0x2C000, s13;
	s22 =	sadd.s32 $0x2E000, s13;
	s23 =	sadd.s32 $0x30000, s13  }
0x1a: {  	s24 =	sadd.s32 $0x32000, s13;
	s25 =	sadd.s32 $0x34000, s13;
	s26 =	sadd.s32 $0x36000, s13  }
0x1b: {  	s1 =	sadd.s32 $0xFFFFFFFF, s0;
	s5 =	simm.s32 $0x1;
	s0 =	rddreg [dreg:$0x3]  }
0x1c: {  	[tilespmem:s4], [sflag:$0x2] =	stream.linear.gather [hbm4b:s0+s4], $0x10000, $0x38;
	[tilespmem:$0x18200] =	vst v63  }
0x1d: {  	_ =	swait.ge [sflag:s9], $0x10000  }
0x1e: {  	[sflag:s9] =	ssyncset.done $0x0  }
0x1f: {  	[sflag:s9] =	ssyncadd.s32 $0xFFFF0000  }
0x20: {  	[hbm4b:s13+s4] =	stream.linear.scatter [tilespmem:s4], [sflag:$0x1], $0x10000, $0x38;
	[tilespmem:$0x18200] =	vst v63  }
0x21: {  	s0 =	rddreg [dreg:$0x4]  }
0x22: {  	[hbm4b:s0+s4] =	stream.linear.scatter [tilespmem:s4], [sflag:$0x1], $0x10000, $0x38;
	[tilespmem:$0x18200] =	vst v63  }
0x23: {  	s2 =	smov.u32 s1;
	s1 =	rddreg [dreg:$0x5]  }
0x24: {  	[hbm4b:s1+s4] =	stream.linear.scatter [tilespmem:s4], [sflag:$0x1], $0x10000, $0x38;
	[tilespmem:$0x18200] =	vst v63  }
0x25: {  	s0 =	rddreg [dreg:$0x6]  }
0x26: {  	[hbm4b:s0+s4] =	stream.linear.scatter [tilespmem:s4], [sflag:$0x1], $0x10000, $0x38;
	[tilespmem:$0x18200] =	vst v63  }
0x27: {  	s1 =	rddreg [dreg:$0x7]  }
0x28: {  	[hbm4b:s1+s4] =	stream.linear.scatter [tilespmem:s4], [sflag:$0x1], $0x10000, $0x38;
	[tilespmem:$0x18200] =	vst v63  }
0x29: {  	s0 =	rddreg [dreg:$0x8]  }
0x2a: {  	[hbm4b:s0+s4] =	stream.linear.scatter [tilespmem:s4], [sflag:$0x1], $0x10000, $0x38;
	[tilespmem:$0x18200] =	vst v63  }
0x2b: {  	s1 =	rddreg [dreg:$0x9]  }
0x2c: {  	[hbm4b:s1+s4] =	stream.linear.scatter [tilespmem:s4], [sflag:$0x1], $0x10000, $0x38;
	[tilespmem:$0x18200] =	vst v63  }
0x2d: {  	s0 =	rddreg [dreg:$0xa]  }
0x2e: {  	[hbm4b:s0+s4] =	stream.linear.scatter [tilespmem:s4], [sflag:$0x1], $0x10000, $0x38;
	[tilespmem:$0x18200] =	vst v63  }
0x2f: {  	s1 =	rddreg [dreg:$0xb]  }
0x30: {  	[hbm4b:s1+s4] =	stream.linear.scatter [tilespmem:s4], [sflag:$0x1], $0x10000, $0x38;
	[tilespmem:$0x18200] =	vst v63  }
0x31: {  	s0 =	rddreg [dreg:$0xc]  }
0x32: {  	[hbm4b:s0+s4] =	stream.linear.scatter [tilespmem:s4], [sflag:$0x1], $0x10000, $0x38;
	[tilespmem:$0x18200] =	vst v63  }
0x33: {  	s1 =	rddreg [dreg:$0xd]  }
0x34: {  	[hbm4b:s1+s4] =	stream.linear.scatter [tilespmem:s4], [sflag:$0x1], $0x10000, $0x38;
	[tilespmem:$0x18200] =	vst v63  }
0x35: {  	s0 =	rddreg [dreg:$0xe]  }
0x36: {  	[hbm4b:s0+s4] =	stream.linear.scatter [tilespmem:s4], [sflag:$0x1], $0x10000, $0x38;
	[tilespmem:$0x18200] =	vst v63  }
0x37: {  	s1 =	rddreg [dreg:$0xf]  }
0x38: {  	[hbm4b:s1+s4] =	stream.linear.scatter [tilespmem:s4], [sflag:$0x1], $0x10000, $0x38;
	[tilespmem:$0x18200] =	vst v63  }
0x39: {  	s0 =	rddreg [dreg:$0x10]  }
0x3a: {  	[hbm4b:s0+s4] =	stream.linear.scatter [tilespmem:s4], [sflag:$0x1], $0x10000, $0x38;
	[tilespmem:$0x18200] =	vst v63  }
0x3b: {  	s1 =	rddreg [dreg:$0x11]  }
0x3c: {  	[hbm4b:s1+s4] =	stream.linear.scatter [tilespmem:s4], [sflag:$0x1], $0x10000, $0x38;
	[tilespmem:$0x18200] =	vst v63  }
0x3d: {  	_ = 	snop  }
0x3e: {  	[hbm4b:s14+s4] =	stream.linear.scatter [tilespmem:s4], [sflag:$0x1], $0x10000, $0x38;
	[tilespmem:$0x18200] =	vst v63  }
0x3f: {  	_ = 	snop  }
0x40: {  	[hbm4b:s15+s4] =	stream.linear.scatter [tilespmem:s4], [sflag:$0x1], $0x10000, $0x38;
	[tilespmem:$0x18200] =	vst v63  }
0x41: {  	_ = 	snop  }
0x42: {  	[hbm4b:s16+s4] =	stream.linear.scatter [tilespmem:s4], [sflag:$0x1], $0x10000, $0x38;
	[tilespmem:$0x18200] =	vst v63  }
0x43: {  	_ = 	snop  }
0x44: {  	[hbm4b:s17+s4] =	stream.linear.scatter [tilespmem:s4], [sflag:$0x1], $0x10000, $0x38;
	[tilespmem:$0x18200] =	vst v63  }
0x45: {  	_ = 	snop  }
0x46: {  	[hbm4b:s18+s4] =	stream.linear.scatter [tilespmem:s4], [sflag:$0x1], $0x10000, $0x38;
	[tilespmem:$0x18200] =	vst v63  }
0x47: {  	_ = 	snop  }
0x48: {  	[hbm4b:s19+s4] =	stream.linear.scatter [tilespmem:s4], [sflag:$0x1], $0x10000, $0x38;
	[tilespmem:$0x18200] =	vst v63  }
0x49: {  	_ = 	snop  }
0x4a: {  	[hbm4b:s20+s4] =	stream.linear.scatter [tilespmem:s4], [sflag:$0x1], $0x10000, $0x38;
	[tilespmem:$0x18200] =	vst v63  }
0x4b: {  	_ = 	snop  }
0x4c: {  	[hbm4b:s21+s4] =	stream.linear.scatter [tilespmem:s4], [sflag:$0x1], $0x10000, $0x38;
	[tilespmem:$0x18200] =	vst v63  }
0x4d: {  	_ = 	snop  }
0x4e: {  	[hbm4b:s22+s4] =	stream.linear.scatter [tilespmem:s4], [sflag:$0x1], $0x10000, $0x38;
	[tilespmem:$0x18200] =	vst v63  }
0x4f: {  	_ = 	snop  }
0x50: {  	[hbm4b:s23+s4] =	stream.linear.scatter [tilespmem:s4], [sflag:$0x1], $0x10000, $0x38;
	[tilespmem:$0x18200] =	vst v63  }
0x51: {  	_ = 	snop  }
0x52: {  	[hbm4b:s24+s4] =	stream.linear.scatter [tilespmem:s4], [sflag:$0x1], $0x10000, $0x38;
	[tilespmem:$0x18200] =	vst v63  }
0x53: {  	_ = 	snop  }
0x54: {  	[hbm4b:s25+s4] =	stream.linear.scatter [tilespmem:s4], [sflag:$0x1], $0x10000, $0x38;
	[tilespmem:$0x18200] =	vst v63  }
0x55: {  	_ = 	snop  }
0x56: {  	[hbm4b:s26+s4] =	stream.linear.scatter [tilespmem:s4], [sflag:$0x1], $0x10000, $0x38;
	[tilespmem:$0x18200] =	vst v63  }
0x57: {  	_ = 	snop  }
0x58: {  	[hbm4b:s28+s4] =	stream.linear.scatter [tilespmem:s4], [sflag:$0x1], $0x10000, $0x38;
	[tilespmem:$0x18200] =	vst v63  }
0x59: {  	_ = 	snop  }
0x5a: {  	[hbm4b:s29+s4] =	stream.linear.scatter [tilespmem:s4], [sflag:$0x1], $0x10000, $0x38;
	[tilespmem:$0x18200] =	vst v63  }
0x5b: {  	_ = 	snop  }
0x5c: {  	[hbm4b:s30+s4] =	stream.linear.scatter [tilespmem:s4], [sflag:$0x1], $0x10000, $0x38;
	[tilespmem:$0x18200] =	vst v63  }
0x5d: {  	_ = 	snop  }
0x5e: {  	[hbm4b:s31+s4] =	stream.linear.scatter [tilespmem:s4], [sflag:$0x1], $0x10000, $0x38;
	[tilespmem:$0x18200] =	vst v63  }
0x5f: {  	_ =	swait.ge [sflag:s5], $0x10000  }
0x60: {  	[sflag:s5] =	ssyncset.done $0x0  }
0x61: {  	[sflag:s5] =	ssyncadd.s32 $0xFFFF0000  }
0x62: {  	_ =	swait.ge [sflag:s5], $0x10000  }
0x63: {  	[sflag:s5] =	ssyncset.done $0x0  }
0x64: {  	[sflag:s5] =	ssyncadd.s32 $0xFFFF0000  }
0x65: {  	_ =	swait.ge [sflag:s5], $0x10000  }
0x66: {  	[sflag:s5] =	ssyncset.done $0x0  }
0x67: {  	[sflag:s5] =	ssyncadd.s32 $0xFFFF0000  }
0x68: {  	_ =	swait.ge [sflag:s5], $0x10000  }
0x69: {  	[sflag:s5] =	ssyncset.done $0x0  }
0x6a: {  	[sflag:s5] =	ssyncadd.s32 $0xFFFF0000  }
0x6b: {  	_ =	swait.ge [sflag:s5], $0x10000  }
0x6c: {  	[sflag:s5] =	ssyncset.done $0x0  }
0x6d: {  	[sflag:s5] =	ssyncadd.s32 $0xFFFF0000  }
0x6e: {  	_ =	swait.ge [sflag:s5], $0x10000  }
0x6f: {  	[sflag:s5] =	ssyncset.done $0x0  }
0x70: {  	[sflag:s5] =	ssyncadd.s32 $0xFFFF0000  }
0x71: {  	_ =	swait.ge [sflag:s5], $0x10000  }
0x72: {  	[sflag:s5] =	ssyncset.done $0x0  }
0x73: {  	[sflag:s5] =	ssyncadd.s32 $0xFFFF0000  }
0x74: {  	_ =	swait.ge [sflag:s5], $0x10000  }
0x75: {  	[sflag:s5] =	ssyncset.done $0x0  }
0x76: {  	[sflag:s5] =	ssyncadd.s32 $0xFFFF0000  }
0x77: {  	_ =	swait.ge [sflag:s5], $0x10000  }
0x78: {  	[sflag:s5] =	ssyncset.done $0x0  }
0x79: {  	[sflag:s5] =	ssyncadd.s32 $0xFFFF0000  }
0x7a: {  	_ =	swait.ge [sflag:s5], $0x10000  }
0x7b: {  	[sflag:s5] =	ssyncset.done $0x0  }
0x7c: {  	[sflag:s5] =	ssyncadd.s32 $0xFFFF0000  }
0x7d: {  	_ =	swait.ge [sflag:s5], $0x10000  }
0x7e: {  	[sflag:s5] =	ssyncset.done $0x0  }
0x7f: {  	[sflag:s5] =	ssyncadd.s32 $0xFFFF0000  }
0x80: {  	_ =	swait.ge [sflag:s5], $0x10000  }
0x81: {  	[sflag:s5] =	ssyncset.done $0x0  }
0x82: {  	[sflag:s5] =	ssyncadd.s32 $0xFFFF0000  }
0x83: {  	_ =	swait.ge [sflag:s5], $0x10000  }
0x84: {  	[sflag:s5] =	ssyncset.done $0x0  }
0x85: {  	[sflag:s5] =	ssyncadd.s32 $0xFFFF0000  }
0x86: {  	_ =	swait.ge [sflag:s5], $0x10000  }
0x87: {  	[sflag:s5] =	ssyncset.done $0x0  }
0x88: {  	[sflag:s5] =	ssyncadd.s32 $0xFFFF0000  }
0x89: {  	_ =	swait.ge [sflag:s5], $0x10000  }
0x8a: {  	[sflag:s5] =	ssyncset.done $0x0  }
0x8b: {  	[sflag:s5] =	ssyncadd.s32 $0xFFFF0000  }
0x8c: {  	_ =	swait.ge [sflag:s5], $0x10000  }
0x8d: {  	[sflag:s5] =	ssyncset.done $0x0  }
0x8e: {  	[sflag:s5] =	ssyncadd.s32 $0xFFFF0000  }
0x8f: {  	_ =	swait.ge [sflag:s5], $0x10000  }
0x90: {  	[sflag:s5] =	ssyncset.done $0x0  }
0x91: {  	[sflag:s5] =	ssyncadd.s32 $0xFFFF0000  }
0x92: {  	_ =	swait.ge [sflag:s5], $0x10000  }
0x93: {  	[sflag:s5] =	ssyncset.done $0x0  }
0x94: {  	[sflag:s5] =	ssyncadd.s32 $0xFFFF0000  }
0x95: {  	_ =	swait.ge [sflag:s5], $0x10000  }
0x96: {  	[sflag:s5] =	ssyncset.done $0x0  }
0x97: {  	[sflag:s5] =	ssyncadd.s32 $0xFFFF0000  }
0x98: {  	_ =	swait.ge [sflag:s5], $0x10000  }
0x99: {  	[sflag:s5] =	ssyncset.done $0x0  }
0x9a: {  	[sflag:s5] =	ssyncadd.s32 $0xFFFF0000  }
0x9b: {  	_ =	swait.ge [sflag:s5], $0x10000  }
0x9c: {  	[sflag:s5] =	ssyncset.done $0x0  }
0x9d: {  	[sflag:s5] =	ssyncadd.s32 $0xFFFF0000  }
0x9e: {  	_ =	swait.ge [sflag:s5], $0x10000  }
0x9f: {  	[sflag:s5] =	ssyncset.done $0x0  }
0xa0: {  	[sflag:s5] =	ssyncadd.s32 $0xFFFF0000  }
0xa1: {  	_ =	swait.ge [sflag:s5], $0x10000  }
0xa2: {  	[sflag:s5] =	ssyncset.done $0x0  }
0xa3: {  	[sflag:s5] =	ssyncadd.s32 $0xFFFF0000  }
0xa4: {  	_ =	swait.ge [sflag:s5], $0x10000  }
0xa5: {  	[sflag:s5] =	ssyncset.done $0x0  }
0xa6: {  	[sflag:s5] =	ssyncadd.s32 $0xFFFF0000  }
0xa7: {  	_ =	swait.ge [sflag:s5], $0x10000  }
0xa8: {  	[sflag:s5] =	ssyncset.done $0x0  }
0xa9: {  	[sflag:s5] =	ssyncadd.s32 $0xFFFF0000  }
0xaa: {  	_ =	swait.ge [sflag:s5], $0x10000  }
0xab: {  	[sflag:s5] =	ssyncset.done $0x0  }
0xac: {  	[sflag:s5] =	ssyncadd.s32 $0xFFFF0000  }
0xad: {  	_ =	swait.ge [sflag:s5], $0x10000  }
0xae: {  	[sflag:s5] =	ssyncset.done $0x0  }
0xaf: {  	[sflag:s5] =	ssyncadd.s32 $0xFFFF0000  }
0xb0: {  	_ =	swait.ge [sflag:s5], $0x10000  }
0xb1: {  	[sflag:s5] =	ssyncset.done $0x0  }
0xb2: {  	[sflag:s5] =	ssyncadd.s32 $0xFFFF0000  }
0xb3: {  	_ =	swait.ge [sflag:s5], $0x10000  }
0xb4: {  	[sflag:s5] =	ssyncset.done $0x0  }
0xb5: {  	[sflag:s5] =	ssyncadd.s32 $0xFFFF0000  }
0xb6: {  	_ =	swait.ge [sflag:s5], $0x10000  }
0xb7: {  	[sflag:s5] =	ssyncset.done $0x0  }
0xb8: {  	[sflag:s5] =	ssyncadd.s32 $0xFFFF0000  }
0xb9: {  	_ =	swait.ge [sflag:s5], $0x10000  }
0xba: {  	[sflag:s5] =	ssyncset.done $0x0  }
0xbb: {  	[sflag:s5] =	ssyncadd.s32 $0xFFFF0000  }
0xbc: {  	_ =	swait.ge [sflag:s5], $0x10000  }
0xbd: {  	[sflag:s5] =	ssyncset.done $0x0  }
0xbe: {  	[sflag:s5] =	ssyncadd.s32 $0xFFFF0000  }
0xbf: {  	[tilespmem:s6], [sflag:$0x2] =	stream.linear.gather [hbm4b:s11+s4], $0x100, $0x38;
	[tilespmem:$0x18200] =	vst v63  }
0xc0: {  	_ =	swait.ge [sflag:s9], $0x100  }
0xc1: {  	[sflag:s9] =	ssyncset.done $0x0  }
0xc2: {  	[sflag:s9] =	ssyncadd.s32 $0xFFFFFF00  }
0xc3: {  	[tilespmem:s12], [sflag:$0x2] =	stream.linear.gather [hbm4b:s7+s4], $0x100, $0x38;
	[tilespmem:$0x18200] =	vst v63  }
0xc4: {  	_ =	swait.ge [sflag:s9], $0x100  }
0xc5: {  	[sflag:s9] =	ssyncset.done $0x0  }
0xc6: {  	[sflag:s9] =	ssyncadd.s32 $0xFFFFFF00  }
0xc7: {  	s1 =	rddreg [dreg:$0x1]  }
0xc8: {  	[tilespmem:s10], [sflag:$0x1] =	stream.indirect.gather [hbm4b:s1+s8], $0x80, s12, s8, $0xb8;
	[tilespmem:$0x18200] =	vst v63  }
0xc9: {  	p1 =	sne.s32 s2, $0x1;
	_ =	swait.ge [sflag:s5], $0x8000  }
.Ltmp1:
0xca: {  	[sflag:s5] =	ssyncset.done $0x0;
	(pc) =	sbr.rel @!p1 .LBB2_2-.Ltmp1, $4  }
0xcb: {  	[sflag:s5] =	ssyncadd.s32 $0xFFFF8000  }
0xcc: {  	[hbm4b:s3+s8] =	stream.indirect.scatter [tilespmem:s10], [sflag:$0x1], $0x80, s6, s8, $0xb8;
	[tilespmem:$0x18200] =	vst v63  }
0xcd: {  	p0 =	por $0x1, $0x1;
	_ =	swait.ge [sflag:s5], $0x8000  }
0xce: {  	s1 =	sadd.s32 $0xFFFFFFFF, s2;
	s0 =	rddreg [dreg:$0x3];
	[sflag:s5] =	ssyncset.done $0x0  }
.LBB2_3:
0xcf: {  	[sflag:s5] =	ssyncadd.s32 $0xFFFF8000  }
0xd0: {  	[tilespmem:s4], [sflag:$0x2] =	stream.linear.gather [hbm4b:s0+s4], $0x10000, $0x38;
	[tilespmem:$0x18200] =	vst v63  }
0xd1: {  	_ =	swait.ge [sflag:s9], $0x10000  }
0xd2: {  	[sflag:s9] =	ssyncset.done $0x0  }
0xd3: {  	[sflag:s9] =	ssyncadd.s32 $0xFFFF0000  }
0xd4: {  	[hbm4b:s13+s4] =	stream.linear.scatter [tilespmem:s4], [sflag:$0x1], $0x10000, $0x38;
	[tilespmem:$0x18200] =	vst v63  }
0xd5: {  	s0 =	rddreg [dreg:$0x4]  }
0xd6: {  	[hbm4b:s0+s4] =	stream.linear.scatter [tilespmem:s4], [sflag:$0x1], $0x10000, $0x38;
	[tilespmem:$0x18200] =	vst v63  }
0xd7: {  	s2 =	rddreg [dreg:$0x5]  }
0xd8: {  	[hbm4b:s2+s4] =	stream.linear.scatter [tilespmem:s4], [sflag:$0x1], $0x10000, $0x38;
	[tilespmem:$0x18200] =	vst v63  }
0xd9: {  	s0 =	rddreg [dreg:$0x6]  }
0xda: {  	[hbm4b:s0+s4] =	stream.linear.scatter [tilespmem:s4], [sflag:$0x1], $0x10000, $0x38;
	[tilespmem:$0x18200] =	vst v63  }
0xdb: {  	s2 =	rddreg [dreg:$0x7]  }
0xdc: {  	[hbm4b:s2+s4] =	stream.linear.scatter [tilespmem:s4], [sflag:$0x1], $0x10000, $0x38;
	[tilespmem:$0x18200] =	vst v63  }
0xdd: {  	s0 =	rddreg [dreg:$0x8]  }
0xde: {  	[hbm4b:s0+s4] =	stream.linear.scatter [tilespmem:s4], [sflag:$0x1], $0x10000, $0x38;
	[tilespmem:$0x18200] =	vst v63  }
0xdf: {  	s2 =	rddreg [dreg:$0x9]  }
0xe0: {  	[hbm4b:s2+s4] =	stream.linear.scatter [tilespmem:s4], [sflag:$0x1], $0x10000, $0x38;
	[tilespmem:$0x18200] =	vst v63  }
0xe1: {  	s0 =	rddreg [dreg:$0xa]  }
0xe2: {  	[hbm4b:s0+s4] =	stream.linear.scatter [tilespmem:s4], [sflag:$0x1], $0x10000, $0x38;
	[tilespmem:$0x18200] =	vst v63  }
0xe3: {  	s2 =	rddreg [dreg:$0xb]  }
0xe4: {  	[hbm4b:s2+s4] =	stream.linear.scatter [tilespmem:s4], [sflag:$0x1], $0x10000, $0x38;
	[tilespmem:$0x18200] =	vst v63  }
0xe5: {  	s0 =	rddreg [dreg:$0xc]  }
0xe6: {  	[hbm4b:s0+s4] =	stream.linear.scatter [tilespmem:s4], [sflag:$0x1], $0x10000, $0x38;
	[tilespmem:$0x18200] =	vst v63  }
0xe7: {  	s2 =	rddreg [dreg:$0xd]  }
0xe8: {  	[hbm4b:s2+s4] =	stream.linear.scatter [tilespmem:s4], [sflag:$0x1], $0x10000, $0x38;
	[tilespmem:$0x18200] =	vst v63  }
0xe9: {  	s0 =	rddreg [dreg:$0xe]  }
0xea: {  	[hbm4b:s0+s4] =	stream.linear.scatter [tilespmem:s4], [sflag:$0x1], $0x10000, $0x38;
	[tilespmem:$0x18200] =	vst v63  }
0xeb: {  	s2 =	rddreg [dreg:$0xf]  }
0xec: {  	[hbm4b:s2+s4] =	stream.linear.scatter [tilespmem:s4], [sflag:$0x1], $0x10000, $0x38;
	[tilespmem:$0x18200] =	vst v63  }
0xed: {  	s0 =	rddreg [dreg:$0x10]  }
0xee: {  	[hbm4b:s0+s4] =	stream.linear.scatter [tilespmem:s4], [sflag:$0x1], $0x10000, $0x38;
	[tilespmem:$0x18200] =	vst v63  }
0xef: {  	s2 =	rddreg [dreg:$0x11]  }
0xf0: {  	[hbm4b:s2+s4] =	stream.linear.scatter [tilespmem:s4], [sflag:$0x1], $0x10000, $0x38;
	[tilespmem:$0x18200] =	vst v63  }
0xf1: {  	_ = 	snop  }
0xf2: {  	[hbm4b:s14+s4] =	stream.linear.scatter [tilespmem:s4], [sflag:$0x1], $0x10000, $0x38;
	[tilespmem:$0x18200] =	vst v63  }
0xf3: {  	_ = 	snop  }
0xf4: {  	[hbm4b:s15+s4] =	stream.linear.scatter [tilespmem:s4], [sflag:$0x1], $0x10000, $0x38;
	[tilespmem:$0x18200] =	vst v63  }
0xf5: {  	_ = 	snop  }
0xf6: {  	[hbm4b:s16+s4] =	stream.linear.scatter [tilespmem:s4], [sflag:$0x1], $0x10000, $0x38;
	[tilespmem:$0x18200] =	vst v63  }
0xf7: {  	_ = 	snop  }
0xf8: {  	[hbm4b:s17+s4] =	stream.linear.scatter [tilespmem:s4], [sflag:$0x1], $0x10000, $0x38;
	[tilespmem:$0x18200] =	vst v63  }
0xf9: {  	_ = 	snop  }
0xfa: {  	[hbm4b:s18+s4] =	stream.linear.scatter [tilespmem:s4], [sflag:$0x1], $0x10000, $0x38;
	[tilespmem:$0x18200] =	vst v63  }
0xfb: {  	_ = 	snop  }
0xfc: {  	[hbm4b:s19+s4] =	stream.linear.scatter [tilespmem:s4], [sflag:$0x1], $0x10000, $0x38;
	[tilespmem:$0x18200] =	vst v63  }
0xfd: {  	_ = 	snop  }
0xfe: {  	[hbm4b:s20+s4] =	stream.linear.scatter [tilespmem:s4], [sflag:$0x1], $0x10000, $0x38;
	[tilespmem:$0x18200] =	vst v63  }
0xff: {  	_ = 	snop  }
0x100: {  	[hbm4b:s21+s4] =	stream.linear.scatter [tilespmem:s4], [sflag:$0x1], $0x10000, $0x38;
	[tilespmem:$0x18200] =	vst v63  }
0x101: {  	_ = 	snop  }
0x102: {  	[hbm4b:s22+s4] =	stream.linear.scatter [tilespmem:s4], [sflag:$0x1], $0x10000, $0x38;
	[tilespmem:$0x18200] =	vst v63  }
0x103: {  	_ = 	snop  }
0x104: {  	[hbm4b:s23+s4] =	stream.linear.scatter [tilespmem:s4], [sflag:$0x1], $0x10000, $0x38;
	[tilespmem:$0x18200] =	vst v63  }
0x105: {  	_ = 	snop  }
0x106: {  	[hbm4b:s24+s4] =	stream.linear.scatter [tilespmem:s4], [sflag:$0x1], $0x10000, $0x38;
	[tilespmem:$0x18200] =	vst v63  }
0x107: {  	_ = 	snop  }
0x108: {  	[hbm4b:s25+s4] =	stream.linear.scatter [tilespmem:s4], [sflag:$0x1], $0x10000, $0x38;
	[tilespmem:$0x18200] =	vst v63  }
0x109: {  	_ = 	snop  }
0x10a: {  	[hbm4b:s26+s4] =	stream.linear.scatter [tilespmem:s4], [sflag:$0x1], $0x10000, $0x38;
	[tilespmem:$0x18200] =	vst v63  }
0x10b: {  	_ = 	snop  }
0x10c: {  	[hbm4b:s28+s4] =	stream.linear.scatter [tilespmem:s4], [sflag:$0x1], $0x10000, $0x38;
	[tilespmem:$0x18200] =	vst v63  }
0x10d: {  	_ = 	snop  }
0x10e: {  	[hbm4b:s29+s4] =	stream.linear.scatter [tilespmem:s4], [sflag:$0x1], $0x10000, $0x38;
	[tilespmem:$0x18200] =	vst v63  }
0x10f: {  	_ = 	snop  }
0x110: {  	[hbm4b:s30+s4] =	stream.linear.scatter [tilespmem:s4], [sflag:$0x1], $0x10000, $0x38;
	[tilespmem:$0x18200] =	vst v63  }
0x111: {  	_ = 	snop  }
0x112: {  	[hbm4b:s31+s4] =	stream.linear.scatter [tilespmem:s4], [sflag:$0x1], $0x10000, $0x38;
	[tilespmem:$0x18200] =	vst v63  }
0x113: {  	_ =	swait.ge [sflag:s5], $0x10000  }
0x114: {  	[sflag:s5] =	ssyncset.done $0x0  }
0x115: {  	[sflag:s5] =	ssyncadd.s32 $0xFFFF0000  }
0x116: {  	_ =	swait.ge [sflag:s5], $0x10000  }
0x117: {  	[sflag:s5] =	ssyncset.done $0x0  }
0x118: {  	[sflag:s5] =	ssyncadd.s32 $0xFFFF0000  }
0x119: {  	_ =	swait.ge [sflag:s5], $0x10000  }
0x11a: {  	[sflag:s5] =	ssyncset.done $0x0  }
0x11b: {  	[sflag:s5] =	ssyncadd.s32 $0xFFFF0000  }
0x11c: {  	_ =	swait.ge [sflag:s5], $0x10000  }
0x11d: {  	[sflag:s5] =	ssyncset.done $0x0  }
0x11e: {  	[sflag:s5] =	ssyncadd.s32 $0xFFFF0000  }
0x11f: {  	_ =	swait.ge [sflag:s5], $0x10000  }
0x120: {  	[sflag:s5] =	ssyncset.done $0x0  }
0x121: {  	[sflag:s5] =	ssyncadd.s32 $0xFFFF0000  }
0x122: {  	_ =	swait.ge [sflag:s5], $0x10000  }
0x123: {  	[sflag:s5] =	ssyncset.done $0x0  }
0x124: {  	[sflag:s5] =	ssyncadd.s32 $0xFFFF0000  }
0x125: {  	_ =	swait.ge [sflag:s5], $0x10000  }
0x126: {  	[sflag:s5] =	ssyncset.done $0x0  }
0x127: {  	[sflag:s5] =	ssyncadd.s32 $0xFFFF0000  }
0x128: {  	_ =	swait.ge [sflag:s5], $0x10000  }
0x129: {  	[sflag:s5] =	ssyncset.done $0x0  }
0x12a: {  	[sflag:s5] =	ssyncadd.s32 $0xFFFF0000  }
0x12b: {  	_ =	swait.ge [sflag:s5], $0x10000  }
0x12c: {  	[sflag:s5] =	ssyncset.done $0x0  }
0x12d: {  	[sflag:s5] =	ssyncadd.s32 $0xFFFF0000  }
0x12e: {  	_ =	swait.ge [sflag:s5], $0x10000  }
0x12f: {  	[sflag:s5] =	ssyncset.done $0x0  }
0x130: {  	[sflag:s5] =	ssyncadd.s32 $0xFFFF0000  }
0x131: {  	_ =	swait.ge [sflag:s5], $0x10000  }
0x132: {  	[sflag:s5] =	ssyncset.done $0x0  }
0x133: {  	[sflag:s5] =	ssyncadd.s32 $0xFFFF0000  }
0x134: {  	_ =	swait.ge [sflag:s5], $0x10000  }
0x135: {  	[sflag:s5] =	ssyncset.done $0x0  }
0x136: {  	[sflag:s5] =	ssyncadd.s32 $0xFFFF0000  }
0x137: {  	_ =	swait.ge [sflag:s5], $0x10000  }
0x138: {  	[sflag:s5] =	ssyncset.done $0x0  }
0x139: {  	[sflag:s5] =	ssyncadd.s32 $0xFFFF0000  }
0x13a: {  	_ =	swait.ge [sflag:s5], $0x10000  }
0x13b: {  	[sflag:s5] =	ssyncset.done $0x0  }
0x13c: {  	[sflag:s5] =	ssyncadd.s32 $0xFFFF0000  }
0x13d: {  	_ =	swait.ge [sflag:s5], $0x10000  }
0x13e: {  	[sflag:s5] =	ssyncset.done $0x0  }
0x13f: {  	[sflag:s5] =	ssyncadd.s32 $0xFFFF0000  }
0x140: {  	_ =	swait.ge [sflag:s5], $0x10000  }
0x141: {  	[sflag:s5] =	ssyncset.done $0x0  }
0x142: {  	[sflag:s5] =	ssyncadd.s32 $0xFFFF0000  }
0x143: {  	_ =	swait.ge [sflag:s5], $0x10000  }
0x144: {  	[sflag:s5] =	ssyncset.done $0x0  }
0x145: {  	[sflag:s5] =	ssyncadd.s32 $0xFFFF0000  }
0x146: {  	_ =	swait.ge [sflag:s5], $0x10000  }
0x147: {  	[sflag:s5] =	ssyncset.done $0x0  }
0x148: {  	[sflag:s5] =	ssyncadd.s32 $0xFFFF0000  }
0x149: {  	_ =	swait.ge [sflag:s5], $0x10000  }
0x14a: {  	[sflag:s5] =	ssyncset.done $0x0  }
0x14b: {  	[sflag:s5] =	ssyncadd.s32 $0xFFFF0000  }
0x14c: {  	_ =	swait.ge [sflag:s5], $0x10000  }
0x14d: {  	[sflag:s5] =	ssyncset.done $0x0  }
0x14e: {  	[sflag:s5] =	ssyncadd.s32 $0xFFFF0000  }
0x14f: {  	_ =	swait.ge [sflag:s5], $0x10000  }
0x150: {  	[sflag:s5] =	ssyncset.done $0x0  }
0x151: {  	[sflag:s5] =	ssyncadd.s32 $0xFFFF0000  }
0x152: {  	_ =	swait.ge [sflag:s5], $0x10000  }
0x153: {  	[sflag:s5] =	ssyncset.done $0x0  }
0x154: {  	[sflag:s5] =	ssyncadd.s32 $0xFFFF0000  }
0x155: {  	_ =	swait.ge [sflag:s5], $0x10000  }
0x156: {  	[sflag:s5] =	ssyncset.done $0x0  }
0x157: {  	[sflag:s5] =	ssyncadd.s32 $0xFFFF0000  }
0x158: {  	_ =	swait.ge [sflag:s5], $0x10000  }
0x159: {  	[sflag:s5] =	ssyncset.done $0x0  }
0x15a: {  	[sflag:s5] =	ssyncadd.s32 $0xFFFF0000  }
0x15b: {  	_ =	swait.ge [sflag:s5], $0x10000  }
0x15c: {  	[sflag:s5] =	ssyncset.done $0x0  }
0x15d: {  	[sflag:s5] =	ssyncadd.s32 $0xFFFF0000  }
0x15e: {  	_ =	swait.ge [sflag:s5], $0x10000  }
0x15f: {  	[sflag:s5] =	ssyncset.done $0x0  }
0x160: {  	[sflag:s5] =	ssyncadd.s32 $0xFFFF0000  }
0x161: {  	_ =	swait.ge [sflag:s5], $0x10000  }
0x162: {  	[sflag:s5] =	ssyncset.done $0x0  }
0x163: {  	[sflag:s5] =	ssyncadd.s32 $0xFFFF0000  }
0x164: {  	_ =	swait.ge [sflag:s5], $0x10000  }
0x165: {  	[sflag:s5] =	ssyncset.done $0x0  }
0x166: {  	[sflag:s5] =	ssyncadd.s32 $0xFFFF0000  }
0x167: {  	_ =	swait.ge [sflag:s5], $0x10000  }
0x168: {  	[sflag:s5] =	ssyncset.done $0x0  }
0x169: {  	[sflag:s5] =	ssyncadd.s32 $0xFFFF0000  }
0x16a: {  	_ =	swait.ge [sflag:s5], $0x10000  }
0x16b: {  	[sflag:s5] =	ssyncset.done $0x0  }
0x16c: {  	[sflag:s5] =	ssyncadd.s32 $0xFFFF0000  }
0x16d: {  	_ =	swait.ge [sflag:s5], $0x10000  }
0x16e: {  	[sflag:s5] =	ssyncset.done $0x0  }
0x16f: {  	[sflag:s5] =	ssyncadd.s32 $0xFFFF0000  }
0x170: {  	_ =	swait.ge [sflag:s5], $0x10000  }
0x171: {  	[sflag:s5] =	ssyncset.done $0x0  }
0x172: {  	[sflag:s5] =	ssyncadd.s32 $0xFFFF0000  }
0x173: {  	[tilespmem:s6], [sflag:$0x2] =	stream.linear.gather [hbm4b:s11+s4], $0x100, $0x38;
	[tilespmem:$0x18200] =	vst v63  }
0x174: {  	_ =	swait.ge [sflag:s9], $0x100  }
0x175: {  	[sflag:s9] =	ssyncset.done $0x0  }
0x176: {  	[sflag:s9] =	ssyncadd.s32 $0xFFFFFF00  }
0x177: {  	[tilespmem:s12], [sflag:$0x2] =	stream.linear.gather [hbm4b:s7+s4], $0x100, $0x38;
	[tilespmem:$0x18200] =	vst v63  }
0x178: {  	_ =	swait.ge [sflag:s9], $0x100  }
0x179: {  	[sflag:s9] =	ssyncset.done $0x0  }
0x17a: {  	[sflag:s9] =	ssyncadd.s32 $0xFFFFFF00  }
0x17b: {  	s2 =	rddreg [dreg:$0x1]  }
0x17c: {  	[tilespmem:s10], [sflag:$0x1] =	stream.indirect.gather [hbm4b:s2+s8], $0x80, s12, s8, $0xb8;
	[tilespmem:$0x18200] =	vst v63  }
0x17d: {  	p1 =	sne.s32 s1, $0x1;
	_ =	swait.ge [sflag:s5], $0x8000  }
.Ltmp2:
0x17e: {  	[sflag:s5] =	ssyncset.done $0x0;
	(pc) =	sbr.rel @p1 .LBB2_3-.Ltmp2, $4  }
0x17f: {  	[sflag:s5] =	ssyncadd.s32 $0xFFFF8000  }
0x180: {  	[hbm4b:s3+s8] =	stream.indirect.scatter [tilespmem:s10], [sflag:$0x1], $0x80, s6, s8, $0xb8;
	[tilespmem:$0x18200] =	vst v63  }
0x181: {  	_ =	swait.ge [sflag:s5], $0x8000  }
0x182: {  	s1 =	sadd.s32 $0xFFFFFFFF, s1;
	s0 =	rddreg [dreg:$0x3];
	[sflag:s5] =	ssyncset.done $0x0  }
0x183: {  	s2 =	stileid.u32  }
.LBB2_5:
0x184: {  	[sflag:s5] =	ssyncadd.s32 @p0 $0xFFFF8000  }
0x185: {  	[tilespmem:s4], [sflag:$0x2] =	stream.linear.gather [hbm4b:s0+s4], $0x10000, $0x38;
	[tilespmem:$0x18200] =	vst v63  }
0x186: {  	_ =	swait.ge [sflag:s9], $0x10000  }
0x187: {  	[sflag:s9] =	ssyncset.done $0x0  }
0x188: {  	[sflag:s9] =	ssyncadd.s32 $0xFFFF0000  }
0x189: {  	[hbm4b:s13+s4] =	stream.linear.scatter [tilespmem:s4], [sflag:$0x1], $0x10000, $0x38;
	[tilespmem:$0x18200] =	vst v63  }
0x18a: {  	s0 =	rddreg [dreg:$0x4]  }
0x18b: {  	[hbm4b:s0+s4] =	stream.linear.scatter [tilespmem:s4], [sflag:$0x1], $0x10000, $0x38;
	[tilespmem:$0x18200] =	vst v63  }
0x18c: {  	s1 =	rddreg [dreg:$0x5]  }
0x18d: {  	[hbm4b:s1+s4] =	stream.linear.scatter [tilespmem:s4], [sflag:$0x1], $0x10000, $0x38;
	[tilespmem:$0x18200] =	vst v63  }
0x18e: {  	s0 =	rddreg [dreg:$0x6]  }
0x18f: {  	[hbm4b:s0+s4] =	stream.linear.scatter [tilespmem:s4], [sflag:$0x1], $0x10000, $0x38;
	[tilespmem:$0x18200] =	vst v63  }
0x190: {  	s13 =	rddreg [dreg:$0x7]  }
0x191: {  	[hbm4b:s13+s4] =	stream.linear.scatter [tilespmem:s4], [sflag:$0x1], $0x10000, $0x38;
	[tilespmem:$0x18200] =	vst v63  }
0x192: {  	s0 =	rddreg [dreg:$0x8]  }
0x193: {  	[hbm4b:s0+s4] =	stream.linear.scatter [tilespmem:s4], [sflag:$0x1], $0x10000, $0x38;
	[tilespmem:$0x18200] =	vst v63  }
0x194: {  	s13 =	rddreg [dreg:$0x9]  }
0x195: {  	[hbm4b:s13+s4] =	stream.linear.scatter [tilespmem:s4], [sflag:$0x1], $0x10000, $0x38;
	[tilespmem:$0x18200] =	vst v63  }
0x196: {  	s0 =	rddreg [dreg:$0xa]  }
0x197: {  	[hbm4b:s0+s4] =	stream.linear.scatter [tilespmem:s4], [sflag:$0x1], $0x10000, $0x38;
	[tilespmem:$0x18200] =	vst v63  }
0x198: {  	s13 =	rddreg [dreg:$0xb]  }
0x199: {  	[hbm4b:s13+s4] =	stream.linear.scatter [tilespmem:s4], [sflag:$0x1], $0x10000, $0x38;
	[tilespmem:$0x18200] =	vst v63  }
0x19a: {  	s0 =	rddreg [dreg:$0xc]  }
0x19b: {  	[hbm4b:s0+s4] =	stream.linear.scatter [tilespmem:s4], [sflag:$0x1], $0x10000, $0x38;
	[tilespmem:$0x18200] =	vst v63  }
0x19c: {  	s13 =	rddreg [dreg:$0xd]  }
0x19d: {  	[hbm4b:s13+s4] =	stream.linear.scatter [tilespmem:s4], [sflag:$0x1], $0x10000, $0x38;
	[tilespmem:$0x18200] =	vst v63  }
0x19e: {  	s0 =	rddreg [dreg:$0xe]  }
0x19f: {  	[hbm4b:s0+s4] =	stream.linear.scatter [tilespmem:s4], [sflag:$0x1], $0x10000, $0x38;
	[tilespmem:$0x18200] =	vst v63  }
0x1a0: {  	s13 =	rddreg [dreg:$0xf]  }
0x1a1: {  	[hbm4b:s13+s4] =	stream.linear.scatter [tilespmem:s4], [sflag:$0x1], $0x10000, $0x38;
	[tilespmem:$0x18200] =	vst v63  }
0x1a2: {  	s0 =	rddreg [dreg:$0x10]  }
0x1a3: {  	[hbm4b:s0+s4] =	stream.linear.scatter [tilespmem:s4], [sflag:$0x1], $0x10000, $0x38;
	[tilespmem:$0x18200] =	vst v63  }
0x1a4: {  	s13 =	rddreg [dreg:$0x11]  }
0x1a5: {  	[hbm4b:s13+s4] =	stream.linear.scatter [tilespmem:s4], [sflag:$0x1], $0x10000, $0x38;
	[tilespmem:$0x18200] =	vst v63  }
0x1a6: {  	_ = 	snop  }
0x1a7: {  	[hbm4b:s14+s4] =	stream.linear.scatter [tilespmem:s4], [sflag:$0x1], $0x10000, $0x38;
	[tilespmem:$0x18200] =	vst v63  }
0x1a8: {  	_ = 	snop  }
0x1a9: {  	[hbm4b:s15+s4] =	stream.linear.scatter [tilespmem:s4], [sflag:$0x1], $0x10000, $0x38;
	[tilespmem:$0x18200] =	vst v63  }
0x1aa: {  	_ = 	snop  }
0x1ab: {  	[hbm4b:s16+s4] =	stream.linear.scatter [tilespmem:s4], [sflag:$0x1], $0x10000, $0x38;
	[tilespmem:$0x18200] =	vst v63  }
0x1ac: {  	_ = 	snop  }
0x1ad: {  	[hbm4b:s17+s4] =	stream.linear.scatter [tilespmem:s4], [sflag:$0x1], $0x10000, $0x38;
	[tilespmem:$0x18200] =	vst v63  }
0x1ae: {  	_ = 	snop  }
0x1af: {  	[hbm4b:s18+s4] =	stream.linear.scatter [tilespmem:s4], [sflag:$0x1], $0x10000, $0x38;
	[tilespmem:$0x18200] =	vst v63  }
0x1b0: {  	_ = 	snop  }
0x1b1: {  	[hbm4b:s19+s4] =	stream.linear.scatter [tilespmem:s4], [sflag:$0x1], $0x10000, $0x38;
	[tilespmem:$0x18200] =	vst v63  }
0x1b2: {  	_ = 	snop  }
0x1b3: {  	[hbm4b:s20+s4] =	stream.linear.scatter [tilespmem:s4], [sflag:$0x1], $0x10000, $0x38;
	[tilespmem:$0x18200] =	vst v63  }
0x1b4: {  	_ = 	snop  }
0x1b5: {  	[hbm4b:s21+s4] =	stream.linear.scatter [tilespmem:s4], [sflag:$0x1], $0x10000, $0x38;
	[tilespmem:$0x18200] =	vst v63  }
0x1b6: {  	_ = 	snop  }
0x1b7: {  	[hbm4b:s22+s4] =	stream.linear.scatter [tilespmem:s4], [sflag:$0x1], $0x10000, $0x38;
	[tilespmem:$0x18200] =	vst v63  }
0x1b8: {  	_ = 	snop  }
0x1b9: {  	[hbm4b:s23+s4] =	stream.linear.scatter [tilespmem:s4], [sflag:$0x1], $0x10000, $0x38;
	[tilespmem:$0x18200] =	vst v63  }
0x1ba: {  	_ = 	snop  }
0x1bb: {  	[hbm4b:s24+s4] =	stream.linear.scatter [tilespmem:s4], [sflag:$0x1], $0x10000, $0x38;
	[tilespmem:$0x18200] =	vst v63  }
0x1bc: {  	_ = 	snop  }
0x1bd: {  	[hbm4b:s25+s4] =	stream.linear.scatter [tilespmem:s4], [sflag:$0x1], $0x10000, $0x38;
	[tilespmem:$0x18200] =	vst v63  }
0x1be: {  	_ = 	snop  }
0x1bf: {  	[hbm4b:s26+s4] =	stream.linear.scatter [tilespmem:s4], [sflag:$0x1], $0x10000, $0x38;
	[tilespmem:$0x18200] =	vst v63  }
0x1c0: {  	_ = 	snop  }
0x1c1: {  	[hbm4b:s28+s4] =	stream.linear.scatter [tilespmem:s4], [sflag:$0x1], $0x10000, $0x38;
	[tilespmem:$0x18200] =	vst v63  }
0x1c2: {  	_ = 	snop  }
0x1c3: {  	[hbm4b:s29+s4] =	stream.linear.scatter [tilespmem:s4], [sflag:$0x1], $0x10000, $0x38;
	[tilespmem:$0x18200] =	vst v63  }
0x1c4: {  	_ = 	snop  }
0x1c5: {  	[hbm4b:s30+s4] =	stream.linear.scatter [tilespmem:s4], [sflag:$0x1], $0x10000, $0x38;
	[tilespmem:$0x18200] =	vst v63  }
0x1c6: {  	_ = 	snop  }
0x1c7: {  	[hbm4b:s31+s4] =	stream.linear.scatter [tilespmem:s4], [sflag:$0x1], $0x10000, $0x38;
	[tilespmem:$0x18200] =	vst v63  }
0x1c8: {  	_ =	swait.ge [sflag:s5], $0x10000  }
0x1c9: {  	[sflag:s5] =	ssyncset.done $0x0  }
0x1ca: {  	[sflag:s5] =	ssyncadd.s32 $0xFFFF0000  }
0x1cb: {  	_ =	swait.ge [sflag:s5], $0x10000  }
0x1cc: {  	[sflag:s5] =	ssyncset.done $0x0  }
0x1cd: {  	[sflag:s5] =	ssyncadd.s32 $0xFFFF0000  }
0x1ce: {  	_ =	swait.ge [sflag:s5], $0x10000  }
0x1cf: {  	[sflag:s5] =	ssyncset.done $0x0  }
0x1d0: {  	[sflag:s5] =	ssyncadd.s32 $0xFFFF0000  }
0x1d1: {  	_ =	swait.ge [sflag:s5], $0x10000  }
0x1d2: {  	[sflag:s5] =	ssyncset.done $0x0  }
0x1d3: {  	[sflag:s5] =	ssyncadd.s32 $0xFFFF0000  }
0x1d4: {  	_ =	swait.ge [sflag:s5], $0x10000  }
0x1d5: {  	[sflag:s5] =	ssyncset.done $0x0  }
0x1d6: {  	[sflag:s5] =	ssyncadd.s32 $0xFFFF0000  }
0x1d7: {  	_ =	swait.ge [sflag:s5], $0x10000  }
0x1d8: {  	[sflag:s5] =	ssyncset.done $0x0  }
0x1d9: {  	[sflag:s5] =	ssyncadd.s32 $0xFFFF0000  }
0x1da: {  	_ =	swait.ge [sflag:s5], $0x10000  }
0x1db: {  	[sflag:s5] =	ssyncset.done $0x0  }
0x1dc: {  	[sflag:s5] =	ssyncadd.s32 $0xFFFF0000  }
0x1dd: {  	_ =	swait.ge [sflag:s5], $0x10000  }
0x1de: {  	[sflag:s5] =	ssyncset.done $0x0  }
0x1df: {  	[sflag:s5] =	ssyncadd.s32 $0xFFFF0000  }
0x1e0: {  	_ =	swait.ge [sflag:s5], $0x10000  }
0x1e1: {  	[sflag:s5] =	ssyncset.done $0x0  }
0x1e2: {  	[sflag:s5] =	ssyncadd.s32 $0xFFFF0000  }
0x1e3: {  	_ =	swait.ge [sflag:s5], $0x10000  }
0x1e4: {  	[sflag:s5] =	ssyncset.done $0x0  }
0x1e5: {  	[sflag:s5] =	ssyncadd.s32 $0xFFFF0000  }
0x1e6: {  	_ =	swait.ge [sflag:s5], $0x10000  }
0x1e7: {  	[sflag:s5] =	ssyncset.done $0x0  }
0x1e8: {  	[sflag:s5] =	ssyncadd.s32 $0xFFFF0000  }
0x1e9: {  	_ =	swait.ge [sflag:s5], $0x10000  }
0x1ea: {  	[sflag:s5] =	ssyncset.done $0x0  }
0x1eb: {  	[sflag:s5] =	ssyncadd.s32 $0xFFFF0000  }
0x1ec: {  	_ =	swait.ge [sflag:s5], $0x10000  }
0x1ed: {  	[sflag:s5] =	ssyncset.done $0x0  }
0x1ee: {  	[sflag:s5] =	ssyncadd.s32 $0xFFFF0000  }
0x1ef: {  	_ =	swait.ge [sflag:s5], $0x10000  }
0x1f0: {  	[sflag:s5] =	ssyncset.done $0x0  }
0x1f1: {  	[sflag:s5] =	ssyncadd.s32 $0xFFFF0000  }
0x1f2: {  	_ =	swait.ge [sflag:s5], $0x10000  }
0x1f3: {  	[sflag:s5] =	ssyncset.done $0x0  }
0x1f4: {  	[sflag:s5] =	ssyncadd.s32 $0xFFFF0000  }
0x1f5: {  	_ =	swait.ge [sflag:s5], $0x10000  }
0x1f6: {  	[sflag:s5] =	ssyncset.done $0x0  }
0x1f7: {  	[sflag:s5] =	ssyncadd.s32 $0xFFFF0000  }
0x1f8: {  	_ =	swait.ge [sflag:s5], $0x10000  }
0x1f9: {  	[sflag:s5] =	ssyncset.done $0x0  }
0x1fa: {  	[sflag:s5] =	ssyncadd.s32 $0xFFFF0000  }
0x1fb: {  	_ =	swait.ge [sflag:s5], $0x10000  }
0x1fc: {  	[sflag:s5] =	ssyncset.done $0x0  }
0x1fd: {  	[sflag:s5] =	ssyncadd.s32 $0xFFFF0000  }
0x1fe: {  	_ =	swait.ge [sflag:s5], $0x10000  }
0x1ff: {  	[sflag:s5] =	ssyncset.done $0x0  }
0x200: {  	[sflag:s5] =	ssyncadd.s32 $0xFFFF0000  }
0x201: {  	_ =	swait.ge [sflag:s5], $0x10000  }
0x202: {  	[sflag:s5] =	ssyncset.done $0x0  }
0x203: {  	[sflag:s5] =	ssyncadd.s32 $0xFFFF0000  }
0x204: {  	_ =	swait.ge [sflag:s5], $0x10000  }
0x205: {  	[sflag:s5] =	ssyncset.done $0x0  }
0x206: {  	[sflag:s5] =	ssyncadd.s32 $0xFFFF0000  }
0x207: {  	_ =	swait.ge [sflag:s5], $0x10000  }
0x208: {  	[sflag:s5] =	ssyncset.done $0x0  }
0x209: {  	[sflag:s5] =	ssyncadd.s32 $0xFFFF0000  }
0x20a: {  	_ =	swait.ge [sflag:s5], $0x10000  }
0x20b: {  	[sflag:s5] =	ssyncset.done $0x0  }
0x20c: {  	[sflag:s5] =	ssyncadd.s32 $0xFFFF0000  }
0x20d: {  	_ =	swait.ge [sflag:s5], $0x10000  }
0x20e: {  	[sflag:s5] =	ssyncset.done $0x0  }
0x20f: {  	[sflag:s5] =	ssyncadd.s32 $0xFFFF0000  }
0x210: {  	_ =	swait.ge [sflag:s5], $0x10000  }
0x211: {  	[sflag:s5] =	ssyncset.done $0x0  }
0x212: {  	[sflag:s5] =	ssyncadd.s32 $0xFFFF0000  }
0x213: {  	_ =	swait.ge [sflag:s5], $0x10000  }
0x214: {  	[sflag:s5] =	ssyncset.done $0x0  }
0x215: {  	[sflag:s5] =	ssyncadd.s32 $0xFFFF0000  }
0x216: {  	_ =	swait.ge [sflag:s5], $0x10000  }
0x217: {  	[sflag:s5] =	ssyncset.done $0x0  }
0x218: {  	[sflag:s5] =	ssyncadd.s32 $0xFFFF0000  }
0x219: {  	_ =	swait.ge [sflag:s5], $0x10000  }
0x21a: {  	[sflag:s5] =	ssyncset.done $0x0  }
0x21b: {  	[sflag:s5] =	ssyncadd.s32 $0xFFFF0000  }
0x21c: {  	_ =	swait.ge [sflag:s5], $0x10000  }
0x21d: {  	[sflag:s5] =	ssyncset.done $0x0  }
0x21e: {  	[sflag:s5] =	ssyncadd.s32 $0xFFFF0000  }
0x21f: {  	_ =	swait.ge [sflag:s5], $0x10000  }
0x220: {  	[sflag:s5] =	ssyncset.done $0x0  }
0x221: {  	[sflag:s5] =	ssyncadd.s32 $0xFFFF0000  }
0x222: {  	_ =	swait.ge [sflag:s5], $0x10000  }
0x223: {  	[sflag:s5] =	ssyncset.done $0x0  }
0x224: {  	[sflag:s5] =	ssyncadd.s32 $0xFFFF0000  }
0x225: {  	_ =	swait.ge [sflag:s5], $0x10000  }
0x226: {  	[sflag:s5] =	ssyncset.done $0x0  }
0x227: {  	[sflag:s5] =	ssyncadd.s32 $0xFFFF0000  }
0x228: {  	[tilespmem:s6], [sflag:$0x2] =	stream.linear.gather [hbm4b:s11+s4], $0x100, $0x38;
	[tilespmem:$0x18200] =	vst v63  }
0x229: {  	_ =	swait.ge [sflag:s9], $0x100  }
0x22a: {  	[sflag:s9] =	ssyncset.done $0x0  }
0x22b: {  	[sflag:s9] =	ssyncadd.s32 $0xFFFFFF00  }
0x22c: {  	[tilespmem:s12], [sflag:$0x2] =	stream.linear.gather [hbm4b:s7+s4], $0x100, $0x38;
	[tilespmem:$0x18200] =	vst v63  }
0x22d: {  	_ =	swait.ge [sflag:s9], $0x100  }
0x22e: {  	[sflag:s9] =	ssyncset.done $0x0  }
0x22f: {  	[sflag:s9] =	ssyncadd.s32 $0xFFFFFF00  }
0x230: {  	s31 =	rddreg [dreg:$0x1]  }
0x231: {  	[tilespmem:s10], [sflag:$0x1] =	stream.indirect.gather [hbm4b:s31+s8], $0x80, s12, s8, $0xb8;
	[tilespmem:$0x18200] =	vst v63  }
0x232: {  	_ =	swait.ge [sflag:s5], $0x8000  }
0x233: {  	[sflag:s5] =	ssyncset.done $0x0  }
0x234: {  	[sflag:s5] =	ssyncadd.s32 $0xFFFF8000  }
0x235: {  	[hbm4b:s3+s8] =	stream.indirect.scatter [tilespmem:s10], [sflag:$0x1], $0x80, s6, s8, $0xb8;
	[tilespmem:$0x18200] =	vst v63  }
0x236: {  	_ =	swait.ge [sflag:s5], $0x8000  }
0x237: {  	[sflag:s5] =	ssyncset.done $0x0  }
0x238: {  	[sflag:s5] =	ssyncadd.s32 $0xFFFF8000  }
0x239: {  	_ =	sfence.sel $0x180000  }
0x23a: {  	[bflag:$0x0] =	sbarrier.arrive $0xFFFF  }
0x23b: {  	_ =	strace $0x90000047  }
0x23c: {  	[bflag:$0x2] =	sbarrier.arrive $0xFFFF  }
0x23d: {  	p0 =	sne.s32 s2, $0x0;
	s0 =	rddreg [dreg:$0x2]  }
0x23e: {  	s0 =	sadd.s32 @!p0 $0x100000, s0  }
0x23f: {  	[sflag:s0] =	ssyncadd.tile.s32 @!p0 $0x1;
	_ =	shalt  }
.LBB2_2:
.Ltmp3:
0x240: {  	(pc) =	sbr.rel .LBB2_5-.Ltmp3, $2  }
0x241: {  	_ =	sdelay $0x2  }
0x242: {  	s2 =	stileid.u32  }
.Lfunc_end2:
_tile_overlayer_lowered:
.L_overlay_start_2:
0x243: {  	(tag) =	ssettag $0x2  }
0x244: {  	s0 =	rddreg [dreg:$0x0];
	s2 =	stileid.u32  }
0x245: {  	s1 =	rddreg [dreg:$0x1];
	p0 =	sne.s32 s2, $0x0  }
0x246: {  	s3 =	rddreg [dreg:$0x2];
	[bflag:$0x3] =	sbarrier.arrive $0xFFFF;
	s2 =	simm.s32 @!p0 $0x1C02  }
0x247: {  	[timem:s3], [sflag:s2] =	dma.local @!p0 [hbm:s0], s1  }
0x248: {  	s0 =	simm.s32 @!p0 $0x2  }
0x249: {  	_ =	swait.ge @!p0 [sflag:s0], s1  }
0x24a: {  	s1 =	ssub.s32 @!p0 $0x0, s1;
	[sflag:s0] =	ssyncset.done @!p0 $0x0  }
0x24b: {  	[sflag:s0] =	ssyncadd.s32 @!p0 s1  }
0x24c: {  	[bflag:$0x3] =	sbarrier.arrive $0xFFFF  }
0x24d: {  	_ =	shalt  }

</sc_bundles>
